<compile_context>
chip_gen: v7x
topology: tpu7x:2x2x1
jax: 0.10.2.dev20260603
libtpu: 0.0.44.dev20260713+nightly
codegen_flags: <defaults>
</compile_context>

<pallas_src>
import jax
import jax.numpy as jnp
from jax import lax
from jax.experimental import pallas as pl
from jax.experimental.pallas import tpu as pltpu
from jax.experimental.pallas import tpu_sc as plsc

V = 50265
H = 768
B, P, T = 16, 8, 129
NSEQ = B + B * P
TOK = T - 1
NQ = 4
QT = TOK // NQ
SPT = NSEQ // 8
SPC = 2
NCH = SPT // SPC
CR = SPC * QT
BS = 24


def _sc_gather_body(ids_hbm, tab_hbm, out_hbm, ids_v, rows_v,
                    g0, g1, w0, w1):
    wid = lax.axis_index("c") * 16 + lax.axis_index("s")
    q = wid // 8
    row_base = (wid % 8) * (SPT * QT)

    pltpu.sync_copy(ids_hbm.at[wid], ids_v)
    gsem = (g0, g1)
    wsem = (w0, w1)

    def wdst(j):
        return out_hbm.at[q, pl.ds(row_base + j * CR, CR)]

    pltpu.async_copy(tab_hbm.at[ids_v.at[0]], rows_v.at[0], g0)
    pltpu.async_copy(tab_hbm.at[ids_v.at[1]], rows_v.at[1], g1)

    for j in range(NCH):
        buf = j % 2
        pltpu.make_async_copy(
            tab_hbm.at[ids_v.at[j]], rows_v.at[buf], gsem[buf]).wait()
        pltpu.async_copy(rows_v.at[buf], wdst(j), wsem[buf])
        if j + 2 < NCH:
            pltpu.make_async_copy(rows_v.at[buf], wdst(j), wsem[buf]).wait()
            pltpu.async_copy(
                tab_hbm.at[ids_v.at[j + 2]], rows_v.at[buf], gsem[buf])

    for j in (NCH - 2, NCH - 1):
        buf = j % 2
        pltpu.make_async_copy(rows_v.at[buf], wdst(j), wsem[buf]).wait()


def _make_sc_gather():
    mesh = plsc.VectorSubcoreMesh(core_axis_name="c", subcore_axis_name="s")
    return pl.kernel(
        _sc_gather_body,
        out_type=jax.ShapeDtypeStruct((NQ, NSEQ * QT, H), jnp.float32),
        mesh=mesh,
        scratch_types=[
            pltpu.VMEM((NCH, CR), jnp.int32),
            pltpu.VMEM((2, CR, H), jnp.float32),
            pltpu.SemaphoreType.DMA,
            pltpu.SemaphoreType.DMA,
            pltpu.SemaphoreType.DMA,
            pltpu.SemaphoreType.DMA,
        ],
    )


def _pool_tail_body(g_ref, c_ref, gam_ref, bet_ref, w_ref, wb_ref,
                    out_ref, acc_ref):
    i = pl.program_id(0)
    e = g_ref[...].reshape(NQ, BS, QT, H) + c_ref[...][:, None]
    mu = jnp.mean(e, axis=-1, keepdims=True)
    var = jnp.mean(e * e, axis=-1, keepdims=True) - mu * mu
    w = lax.rsqrt(var + jnp.float32(1e-5))
    s = jnp.sum(e * w, axis=(0, 2)) - jnp.sum(
        mu * w, axis=(0, 2))
    acc_ref[pl.ds(i * BS, BS)] = (
        s * jnp.float32(1.0 / TOK)) * gam_ref[...] + bet_ref[...]

    @pl.when(i == NSEQ // BS - 1)
    def _tail():
        pooled = acc_ref[...]
        ph = pooled[:B]
        pp = pooled[B:].reshape(B, P, H)
        hist = lax.dot_general(ph, w_ref[...], (((1,), (1,)), ((), ())),
                               precision=lax.Precision.HIGHEST,
                               preferred_element_type=jnp.float32)
        hist = hist + wb_ref[...]
        diff = pp - hist[:, None, :]
        d2 = jnp.sum(diff * diff, axis=-1)
        feats = -jnp.sqrt(d2)
        m = jnp.max(feats, axis=-1, keepdims=True)
        ex = jnp.exp(feats - m)
        out_ref[...] = ex / jnp.sum(ex, axis=-1, keepdims=True)


def kernel(persona, history, word_emb, pos_emb, tok_type_emb, ln_g, ln_b, W, b):
    ids = jnp.concatenate(
        [history[:, 1:].reshape(B, TOK),
         persona[:, :, 1:].reshape(B * P, TOK)], axis=0).astype(jnp.int32)
    ids = ids.reshape(NSEQ, NQ, QT).transpose(1, 0, 2).reshape(32, NCH, CR)
    c = (pos_emb[2:2 + TOK] + tok_type_emb[0]).reshape(NQ, QT, H)

    gathered = _make_sc_gather()(ids, word_emb)

    return pl.pallas_call(
        _pool_tail_body,
        grid=(NSEQ // BS,),
        in_specs=[
            pl.BlockSpec((NQ, BS * QT, H), lambda i: (0, i, 0)),
            pl.BlockSpec((NQ, QT, H), lambda i: (0, 0, 0)),
            pl.BlockSpec((1, H), lambda i: (0, 0)),
            pl.BlockSpec((1, H), lambda i: (0, 0)),
            pl.BlockSpec((H, H), lambda i: (0, 0)),
            pl.BlockSpec((1, H), lambda i: (0, 0)),
        ],
        out_specs=pl.BlockSpec((B, P), lambda i: (0, 0)),
        out_shape=jax.ShapeDtypeStruct((B, P), jnp.float32),
        scratch_shapes=[pltpu.VMEM((NSEQ, H), jnp.float32)],
    )(gathered, c, ln_g.reshape(1, H), ln_b.reshape(1, H),
      W, b.reshape(1, H))

# --- scband reference (transcript-rebuilt; emitter-appended) ---
"""Pipeline reference for scband-prior-bo-wmodel-84894323573218 (READ-ONLY COPY).

The authoritative reference and input builder live on the scoring server;
editing this copy changes nothing except your own understanding.
"""

import jax, jax.numpy as jnp
import numpy as np

V = 50265      # roberta-base vocab
H = 768        # hidden size
MAXPOS = 514   # roberta max position embeddings
B, P, T = 16, 8, 129
PAD_OFFSET = 2 # roberta position ids start at padding_idx+1 = 2


def setup_inputs(seed: int = 0) -> dict:
    key = jax.random.key(seed)
    ks = jax.random.split(key, 9)
    persona = jax.random.randint(ks[0], (B, P, T), 0, V)
    history = jax.random.randint(ks[1], (B, T), 0, V)
    word_emb = jax.random.normal(ks[2], (V, H), dtype=jnp.float32) * 0.02
    pos_emb = jax.random.normal(ks[3], (MAXPOS, H), dtype=jnp.float32) * 0.02
    tok_type_emb = jax.random.normal(ks[4], (1, H), dtype=jnp.float32) * 0.02
    ln_g = jnp.ones((H,), dtype=jnp.float32)
    ln_b = jnp.zeros((H,), dtype=jnp.float32)
    W = jax.random.normal(ks[5], (H, H), dtype=jnp.float32) * 0.02
    b = jnp.zeros((H,), dtype=jnp.float32)
    return {"persona": persona, "history": history, "word_emb": word_emb,
            "pos_emb": pos_emb, "tok_type_emb": tok_type_emb,
            "ln_g": ln_g, "ln_b": ln_b, "W": W, "b": b}


def _roberta_embeddings(ids, word_emb, pos_emb, tok_type_emb, ln_g, ln_b):
    # word + position + token_type embeddings, then LayerNorm (dropout = identity in eval)
    seq_len = ids.shape[-1]
    pos_ids = jnp.arange(seq_len) + PAD_OFFSET
    e = jnp.take(word_emb, ids, axis=0)
    e = e + jnp.take(pos_emb, pos_ids, axis=0)
    e = e + tok_type_emb[0]
    mu = jnp.mean(e, axis=-1, keepdims=True)
    var = jnp.var(e, axis=-1, keepdims=True)
    e = (e - mu) / jnp.sqrt(var + 1e-5) * ln_g + ln_b
    return e


def reference(persona, history, word_emb, pos_emb, tok_type_emb, ln_g, ln_b, W, b):
    # persona: B x P x T, history: B x T (uniform_prior=False, use_structured_prior=False)
    p = persona[..., 1:]
    h = history[..., 1:]
    # history encoding: mean-pooled roberta embeddings -> linear transform
    hist_enc = _roberta_embeddings(h, word_emb, pos_emb, tok_type_emb, ln_g, ln_b).mean(axis=1)
    hist_enc = hist_enc @ W.T + b                       # (B, H)
    hist_enc = hist_enc[:, None, :]                     # (B, 1, H) broadcasts over P (== repeat)
    # persona encodings (vectorized over P; same math as the python loop + stack)
    pers_enc = _roberta_embeddings(p, word_emb, pos_emb, tok_type_emb, ln_g, ln_b).mean(axis=2)  # (B, P, H)
    feats = -1.0 * jnp.linalg.norm(hist_enc - pers_enc, ord=2, axis=-1)  # (B, P)
    prob_z_given_H = jax.nn.softmax(feats, axis=-1)
    return prob_z_given_H

if __name__ == "__main__":
    import jax
    _d = setup_inputs()
    print(jax.jit(kernel)(*tuple(_d.values())))

</pallas_src>

<mosaic_0001>
#map = affine_map<(d0, d1) -> (0, 0, 0)>
#map1 = affine_map<(d0, d1) -> (0, 0)>
module attributes {stable_mosaic.version = 14 : i64} {
  func.func @_sc_gather_body(%arg0: i32, %arg1: i32, %arg2: memref<32x9x64xi32, #tpu.memory_space<hbm>>, %arg3: memref<50265x768xf32, #tpu.memory_space<hbm>>, %arg4: memref<4x4608x768xf32, #tpu.memory_space<hbm>>, %arg5: memref<9x64xi32, #tpu.memory_space<vmem>>, %arg6: memref<2x64x768xf32, #tpu.memory_space<vmem>>, %arg7: memref<!tpu.dma_semaphore, #tpu.memory_space<semaphore_mem>>, %arg8: memref<!tpu.dma_semaphore, #tpu.memory_space<semaphore_mem>>, %arg9: memref<!tpu.dma_semaphore, #tpu.memory_space<semaphore_mem>>, %arg10: memref<!tpu.dma_semaphore, #tpu.memory_space<semaphore_mem>>) attributes {dimension_semantics = [#tpu.dimension_semantics<core_parallel>, #tpu.dimension_semantics<subcore_parallel>], iteration_bounds = array<i64: 2, 16>, scalar_prefetch = 0 : i64, scratch_operands = 6 : i64, tpu.core_type = #tpu.core_type<sc_vector_subcore>, window_params = [{transform_indices = #map}, {transform_indices = #map1}, {transform_indices = #map}]} {
    %mul3A = arith.constant 16 : i32
    %mul3A_0 = arith.muli %arg0, %mul3A : i32
    %add3A = arith.addi %mul3A_0, %arg1 : i32
    %jit3A = arith.constant 8 : i32
    %div3A = arith.divsi %add3A, %jit3A : i32
    %sign3A = arith.constant 0 : i32
    %sign3A_1 = arith.cmpi sgt, %add3A, %sign3A : i32
    %sign3A_2 = arith.extui %sign3A_1 : i1 to i32
    %sign3A_3 = arith.constant 0 : i32
    %sign3A_4 = arith.cmpi slt, %add3A, %sign3A_3 : i32
    %sign3A_5 = arith.extui %sign3A_4 : i1 to i32
    %sign3A_6 = arith.subi %sign3A_2, %sign3A_5 : i32
    %sign3A_7 = arith.constant 0 : i32
    %sign3A_8 = arith.cmpi sgt, %jit3A, %sign3A_7 : i32
    %sign3A_9 = arith.extui %sign3A_8 : i1 to i32
    %sign3A_10 = arith.constant 0 : i32
    %sign3A_11 = arith.cmpi slt, %jit3A, %sign3A_10 : i32
    %sign3A_12 = arith.extui %sign3A_11 : i1 to i32
    %sign3A_13 = arith.subi %sign3A_9, %sign3A_12 : i32
    %ne3A = arith.cmpi ne, %sign3A_6, %sign3A_13 : i32
    %rem3A = arith.remsi %add3A, %jit3A : i32
    %ne3A_14 = arith.constant 0 : i32
    %ne3A_15 = arith.cmpi ne, %rem3A, %ne3A_14 : i32
    %and3A = arith.andi %ne3A, %ne3A_15 : i1
    %sub3A = arith.constant 1 : i32
    %sub3A_16 = arith.subi %div3A, %sub3A : i32
    %select_n3A = arith.select %and3A, %sub3A_16, %div3A : i32
    %jit3A_17 = arith.constant 8 : i32
    %eq3A = arith.constant 0 : i32
    %eq3A_18 = arith.cmpi eq, %jit3A_17, %eq3A : i32
    %jit3A_19 = arith.constant 1 : i32
    %select_n3A_20 = arith.select %eq3A_18, %jit3A_19, %jit3A_17 : i32
    %rem3A_21 = arith.remsi %add3A, %select_n3A_20 : i32
    %ne3A_22 = arith.constant 0 : i32
    %ne3A_23 = arith.cmpi ne, %rem3A_21, %ne3A_22 : i32
    %lt3A = arith.constant 0 : i32
    %lt3A_24 = arith.cmpi slt, %rem3A_21, %lt3A : i32
    %lt3A_25 = arith.constant 0 : i32
    %lt3A_26 = arith.cmpi slt, %select_n3A_20, %lt3A_25 : i32
    %ne3A_27 = arith.xori %lt3A_24, %lt3A_26 : i1
    %and3A_28 = arith.andi %ne3A_27, %ne3A_23 : i1
    %add3A_29 = arith.addi %rem3A_21, %select_n3A_20 : i32
    %select_n3A_30 = arith.select %and3A_28, %add3A_29, %rem3A_21 : i32
    %mul3A_31 = arith.constant 576 : i32
    %mul3A_32 = arith.muli %select_n3A_30, %mul3A_31 : i32
    "tpu.region"() ({
      %run_scoped3A = tpu.sem_alloc : memref<!tpu.dma_semaphore, #tpu.memory_space<semaphore_mem>>
      %dma_start3A_553 = arith.constant 0 : i32
      %dma_start3A_554 = arith.constant 0 : i32
      %dma_start3A_555 = tpu.memref_slice %arg2[%add3A, %dma_start3A_553, %dma_start3A_554] : memref<32x9x64xi32, #tpu.memory_space<hbm>> -> memref<1x9x64xi32, #tpu.memory_space<hbm>>
      %dma_start3A_556 = tpu.memref_squeeze %dma_start3A_555 : memref<1x9x64xi32, #tpu.memory_space<hbm>> -> memref<9x64xi32, #tpu.memory_space<hbm>>
      %dma_start3A_557 = arith.constant 0 : i32
      %dma_start3A_558 = arith.constant 0 : i32
      %dma_start3A_559 = tpu.memref_slice %arg2[%add3A, %dma_start3A_557, %dma_start3A_558] : memref<32x9x64xi32, #tpu.memory_space<hbm>> -> memref<1x9x64xi32, #tpu.memory_space<hbm>>
      %dma_start3A_560 = tpu.memref_squeeze %dma_start3A_559 : memref<1x9x64xi32, #tpu.memory_space<hbm>> -> memref<9x64xi32, #tpu.memory_space<hbm>>
      tpu.enqueue_dma source(%dma_start3A_560 : memref<9x64xi32, #tpu.memory_space<hbm>>) target(%arg5 : memref<9x64xi32, #tpu.memory_space<vmem>>) target_semaphore(%run_scoped3A : memref<!tpu.dma_semaphore, #tpu.memory_space<semaphore_mem>>)
      %dma_wait3A_561 = arith.constant 0 : i32
      %dma_wait3A_562 = arith.constant 0 : i32
      %dma_wait3A_563 = tpu.memref_slice %arg2[%add3A, %dma_wait3A_561, %dma_wait3A_562] : memref<32x9x64xi32, #tpu.memory_space<hbm>> -> memref<1x9x64xi32, #tpu.memory_space<hbm>>
      %dma_wait3A_564 = tpu.memref_squeeze %dma_wait3A_563 : memref<1x9x64xi32, #tpu.memory_space<hbm>> -> memref<9x64xi32, #tpu.memory_space<hbm>>
      %dma_wait3A_565 = arith.constant 0 : i32
      %dma_wait3A_566 = arith.constant 0 : i32
      %dma_wait3A_567 = tpu.memref_slice %arg2[%add3A, %dma_wait3A_565, %dma_wait3A_566] : memref<32x9x64xi32, #tpu.memory_space<hbm>> -> memref<1x9x64xi32, #tpu.memory_space<hbm>>
      %dma_wait3A_568 = tpu.memref_squeeze %dma_wait3A_567 : memref<1x9x64xi32, #tpu.memory_space<hbm>> -> memref<9x64xi32, #tpu.memory_space<hbm>>
      tpu.wait_dma2 semaphore(%run_scoped3A : memref<!tpu.dma_semaphore, #tpu.memory_space<semaphore_mem>>) src(%dma_wait3A_568 : memref<9x64xi32, #tpu.memory_space<hbm>>) dst(%arg5 : memref<9x64xi32, #tpu.memory_space<vmem>>)
      tpu.yield
    }) : () -> ()
    %dma_start3A = arith.constant 0 : i32
    %dma_start3A_33 = arith.constant 0 : i32
    %dma_start3A_34 = arith.constant 0 : i32
    %dma_start3A_35 = arith.constant 0 : i32
    %dma_start3A_36 = tpu.memref_slice %arg6[%dma_start3A_33, %dma_start3A_34, %dma_start3A_35] : memref<2x64x768xf32, #tpu.memory_space<vmem>> -> memref<1x64x768xf32, #tpu.memory_space<vmem>>
    %dma_start3A_37 = tpu.memref_squeeze %dma_start3A_36 : memref<1x64x768xf32, #tpu.memory_space<vmem>> -> memref<64x768xf32, #tpu.memory_space<vmem>>
    %dma_start3A_38 = arith.constant 0 : i32
    %dma_start3A_39 = tpu.memref_slice %arg5[%dma_start3A, %dma_start3A_38] : memref<9x64xi32, #tpu.memory_space<vmem>> -> memref<1x64xi32, #tpu.memory_space<vmem>>
    %dma_start3A_40 = tpu.memref_squeeze %dma_start3A_39 : memref<1x64xi32, #tpu.memory_space<vmem>> -> memref<64xi32, #tpu.memory_space<vmem>>
    %dma_start3A_41 = arith.constant 0 : i32
    %dma_start3A_42 = arith.constant 0 : i32
    %dma_start3A_43 = tpu.memref_slice %arg3[%dma_start3A_41, %dma_start3A_42] : memref<50265x768xf32, #tpu.memory_space<hbm>> -> memref<50265x768xf32, #tpu.memory_space<hbm>>
    tpu.enqueue_indirect_dma source(%dma_start3A_43 : memref<50265x768xf32, #tpu.memory_space<hbm>>) target(%dma_start3A_37 : memref<64x768xf32, #tpu.memory_space<vmem>>) offsets(%dma_start3A_40 : memref<64xi32, #tpu.memory_space<vmem>>) semaphore(%arg7 : memref<!tpu.dma_semaphore, #tpu.memory_space<semaphore_mem>>)
    %dma_start3A_44 = arith.constant 1 : i32
    %dma_start3A_45 = arith.constant 1 : i32
    %dma_start3A_46 = arith.constant 0 : i32
    %dma_start3A_47 = arith.constant 0 : i32
    %dma_start3A_48 = tpu.memref_slice %arg6[%dma_start3A_45, %dma_start3A_46, %dma_start3A_47] : memref<2x64x768xf32, #tpu.memory_space<vmem>> -> memref<1x64x768xf32, #tpu.memory_space<vmem>>
    %dma_start3A_49 = tpu.memref_squeeze %dma_start3A_48 : memref<1x64x768xf32, #tpu.memory_space<vmem>> -> memref<64x768xf32, #tpu.memory_space<vmem>>
    %dma_start3A_50 = arith.constant 0 : i32
    %dma_start3A_51 = tpu.memref_slice %arg5[%dma_start3A_44, %dma_start3A_50] : memref<9x64xi32, #tpu.memory_space<vmem>> -> memref<1x64xi32, #tpu.memory_space<vmem>>
    %dma_start3A_52 = tpu.memref_squeeze %dma_start3A_51 : memref<1x64xi32, #tpu.memory_space<vmem>> -> memref<64xi32, #tpu.memory_space<vmem>>
    %dma_start3A_53 = arith.constant 0 : i32
    %dma_start3A_54 = arith.constant 0 : i32
    %dma_start3A_55 = tpu.memref_slice %arg3[%dma_start3A_53, %dma_start3A_54] : memref<50265x768xf32, #tpu.memory_space<hbm>> -> memref<50265x768xf32, #tpu.memory_space<hbm>>
    tpu.enqueue_indirect_dma source(%dma_start3A_55 : memref<50265x768xf32, #tpu.memory_space<hbm>>) target(%dma_start3A_49 : memref<64x768xf32, #tpu.memory_space<vmem>>) offsets(%dma_start3A_52 : memref<64xi32, #tpu.memory_space<vmem>>) semaphore(%arg8 : memref<!tpu.dma_semaphore, #tpu.memory_space<semaphore_mem>>)
    %dma_wait3A = arith.constant 0 : i32
    %dma_wait3A_56 = arith.constant 0 : i32
    %dma_wait3A_57 = arith.constant 0 : i32
    %dma_wait3A_58 = arith.constant 0 : i32
    %dma_wait3A_59 = tpu.memref_slice %arg6[%dma_wait3A_56, %dma_wait3A_57, %dma_wait3A_58] : memref<2x64x768xf32, #tpu.memory_space<vmem>> -> memref<1x64x768xf32, #tpu.memory_space<vmem>>
    %dma_wait3A_60 = tpu.memref_squeeze %dma_wait3A_59 : memref<1x64x768xf32, #tpu.memory_space<vmem>> -> memref<64x768xf32, #tpu.memory_space<vmem>>
    %dma_wait3A_61 = arith.constant 0 : i32
    %dma_wait3A_62 = tpu.memref_slice %arg5[%dma_wait3A, %dma_wait3A_61] : memref<9x64xi32, #tpu.memory_space<vmem>> -> memref<1x64xi32, #tpu.memory_space<vmem>>
    %dma_wait3A_63 = tpu.memref_squeeze %dma_wait3A_62 : memref<1x64xi32, #tpu.memory_space<vmem>> -> memref<64xi32, #tpu.memory_space<vmem>>
    %dma_wait3A_64 = arith.constant 0 : i32
    %dma_wait3A_65 = arith.constant 0 : i32
    %dma_wait3A_66 = tpu.memref_slice %arg3[%dma_wait3A_64, %dma_wait3A_65] : memref<50265x768xf32, #tpu.memory_space<hbm>> -> memref<50265x768xf32, #tpu.memory_space<hbm>>
    tpu.wait_indirect_dma semaphore(%arg7 : memref<!tpu.dma_semaphore, #tpu.memory_space<semaphore_mem>>) src(%dma_wait3A_66 : memref<50265x768xf32, #tpu.memory_space<hbm>>) dst(%dma_wait3A_60 : memref<64x768xf32, #tpu.memory_space<vmem>>)
    %add3A_67 = arith.constant 0 : i32
    %add3A_68 = arith.addi %mul3A_32, %add3A_67 : i32
    %dma_start3A_69 = arith.constant 0 : i32
    %dma_start3A_70 = arith.constant 0 : i32
    %dma_start3A_71 = arith.constant 0 : i32
    %dma_start3A_72 = tpu.memref_slice %arg6[%dma_start3A_69, %dma_start3A_70, %dma_start3A_71] : memref<2x64x768xf32, #tpu.memory_space<vmem>> -> memref<1x64x768xf32, #tpu.memory_space<vmem>>
    %dma_start3A_73 = tpu.memref_squeeze %dma_start3A_72 : memref<1x64x768xf32, #tpu.memory_space<vmem>> -> memref<64x768xf32, #tpu.memory_space<vmem>>
    %dma_start3A_74 = arith.constant 0 : i32
    %dma_start3A_75 = tpu.memref_slice %arg4[%select_n3A, %add3A_68, %dma_start3A_74] : memref<4x4608x768xf32, #tpu.memory_space<hbm>> -> memref<1x64x768xf32, #tpu.memory_space<hbm>>
    %dma_start3A_76 = tpu.memref_squeeze %dma_start3A_75 : memref<1x64x768xf32, #tpu.memory_space<hbm>> -> memref<64x768xf32, #tpu.memory_space<hbm>>
    %dma_start3A_77 = arith.constant 0 : i32
    %dma_start3A_78 = tpu.memref_slice %arg4[%select_n3A, %add3A_68, %dma_start3A_77] : memref<4x4608x768xf32, #tpu.memory_space<hbm>> -> memref<1x64x768xf32, #tpu.memory_space<hbm>>
    %dma_start3A_79 = tpu.memref_squeeze %dma_start3A_78 : memref<1x64x768xf32, #tpu.memory_space<hbm>> -> memref<64x768xf32, #tpu.memory_space<hbm>>
    %dma_start3A_80 = arith.constant 0 : i32
    %dma_start3A_81 = arith.constant 0 : i32
    %dma_start3A_82 = tpu.memref_slice %arg6[%dma_start3A_69, %dma_start3A_80, %dma_start3A_81] : memref<2x64x768xf32, #tpu.memory_space<vmem>> -> memref<1x64x768xf32, #tpu.memory_space<vmem>>
    %dma_start3A_83 = tpu.memref_squeeze %dma_start3A_82 : memref<1x64x768xf32, #tpu.memory_space<vmem>> -> memref<64x768xf32, #tpu.memory_space<vmem>>
    tpu.enqueue_dma source(%dma_start3A_83 : memref<64x768xf32, #tpu.memory_space<vmem>>) target(%dma_start3A_79 : memref<64x768xf32, #tpu.memory_space<hbm>>) target_semaphore(%arg9 : memref<!tpu.dma_semaphore, #tpu.memory_space<semaphore_mem>>)
    %add3A_84 = arith.constant 0 : i32
    %add3A_85 = arith.addi %mul3A_32, %add3A_84 : i32
    %dma_wait3A_86 = arith.constant 0 : i32
    %dma_wait3A_87 = arith.constant 0 : i32
    %dma_wait3A_88 = arith.constant 0 : i32
    %dma_wait3A_89 = tpu.memref_slice %arg6[%dma_wait3A_86, %dma_wait3A_87, %dma_wait3A_88] : memref<2x64x768xf32, #tpu.memory_space<vmem>> -> memref<1x64x768xf32, #tpu.memory_space<vmem>>
    %dma_wait3A_90 = tpu.memref_squeeze %dma_wait3A_89 : memref<1x64x768xf32, #tpu.memory_space<vmem>> -> memref<64x768xf32, #tpu.memory_space<vmem>>
    %dma_wait3A_91 = arith.constant 0 : i32
    %dma_wait3A_92 = tpu.memref_slice %arg4[%select_n3A, %add3A_85, %dma_wait3A_91] : memref<4x4608x768xf32, #tpu.memory_space<hbm>> -> memref<1x64x768xf32, #tpu.memory_space<hbm>>
    %dma_wait3A_93 = tpu.memref_squeeze %dma_wait3A_92 : memref<1x64x768xf32, #tpu.memory_space<hbm>> -> memref<64x768xf32, #tpu.memory_space<hbm>>
    %dma_wait3A_94 = arith.constant 0 : i32
    %dma_wait3A_95 = tpu.memref_slice %arg4[%select_n3A, %add3A_85, %dma_wait3A_94] : memref<4x4608x768xf32, #tpu.memory_space<hbm>> -> memref<1x64x768xf32, #tpu.memory_space<hbm>>
    %dma_wait3A_96 = tpu.memref_squeeze %dma_wait3A_95 : memref<1x64x768xf32, #tpu.memory_space<hbm>> -> memref<64x768xf32, #tpu.memory_space<hbm>>
    %dma_wait3A_97 = arith.constant 0 : i32
    %dma_wait3A_98 = arith.constant 0 : i32
    %dma_wait3A_99 = tpu.memref_slice %arg6[%dma_wait3A_86, %dma_wait3A_97, %dma_wait3A_98] : memref<2x64x768xf32, #tpu.memory_space<vmem>> -> memref<1x64x768xf32, #tpu.memory_space<vmem>>
    %dma_wait3A_100 = tpu.memref_squeeze %dma_wait3A_99 : memref<1x64x768xf32, #tpu.memory_space<vmem>> -> memref<64x768xf32, #tpu.memory_space<vmem>>
    tpu.wait_dma2 semaphore(%arg9 : memref<!tpu.dma_semaphore, #tpu.memory_space<semaphore_mem>>) src(%dma_wait3A_100 : memref<64x768xf32, #tpu.memory_space<vmem>>) dst(%dma_wait3A_96 : memref<64x768xf32, #tpu.memory_space<hbm>>)
    %dma_start3A_101 = arith.constant 2 : i32
    %dma_start3A_102 = arith.constant 0 : i32
    %dma_start3A_103 = arith.constant 0 : i32
    %dma_start3A_104 = arith.constant 0 : i32
    %dma_start3A_105 = tpu.memref_slice %arg6[%dma_start3A_102, %dma_start3A_103, %dma_start3A_104] : memref<2x64x768xf32, #tpu.memory_space<vmem>> -> memref<1x64x768xf32, #tpu.memory_space<vmem>>
    %dma_start3A_106 = tpu.memref_squeeze %dma_start3A_105 : memref<1x64x768xf32, #tpu.memory_space<vmem>> -> memref<64x768xf32, #tpu.memory_space<vmem>>
    %dma_start3A_107 = arith.constant 0 : i32
    %dma_start3A_108 = tpu.memref_slice %arg5[%dma_start3A_101, %dma_start3A_107] : memref<9x64xi32, #tpu.memory_space<vmem>> -> memref<1x64xi32, #tpu.memory_space<vmem>>
    %dma_start3A_109 = tpu.memref_squeeze %dma_start3A_108 : memref<1x64xi32, #tpu.memory_space<vmem>> -> memref<64xi32, #tpu.memory_space<vmem>>
    %dma_start3A_110 = arith.constant 0 : i32
    %dma_start3A_111 = arith.constant 0 : i32
    %dma_start3A_112 = tpu.memref_slice %arg3[%dma_start3A_110, %dma_start3A_111] : memref<50265x768xf32, #tpu.memory_space<hbm>> -> memref<50265x768xf32, #tpu.memory_space<hbm>>
    tpu.enqueue_indirect_dma source(%dma_start3A_112 : memref<50265x768xf32, #tpu.memory_space<hbm>>) target(%dma_start3A_106 : memref<64x768xf32, #tpu.memory_space<vmem>>) offsets(%dma_start3A_109 : memref<64xi32, #tpu.memory_space<vmem>>) semaphore(%arg7 : memref<!tpu.dma_semaphore, #tpu.memory_space<semaphore_mem>>)
    %dma_wait3A_113 = arith.constant 1 : i32
    %dma_wait3A_114 = arith.constant 1 : i32
    %dma_wait3A_115 = arith.constant 0 : i32
    %dma_wait3A_116 = arith.constant 0 : i32
    %dma_wait3A_117 = tpu.memref_slice %arg6[%dma_wait3A_114, %dma_wait3A_115, %dma_wait3A_116] : memref<2x64x768xf32, #tpu.memory_space<vmem>> -> memref<1x64x768xf32, #tpu.memory_space<vmem>>
    %dma_wait3A_118 = tpu.memref_squeeze %dma_wait3A_117 : memref<1x64x768xf32, #tpu.memory_space<vmem>> -> memref<64x768xf32, #tpu.memory_space<vmem>>
    %dma_wait3A_119 = arith.constant 0 : i32
    %dma_wait3A_120 = tpu.memref_slice %arg5[%dma_wait3A_113, %dma_wait3A_119] : memref<9x64xi32, #tpu.memory_space<vmem>> -> memref<1x64xi32, #tpu.memory_space<vmem>>
    %dma_wait3A_121 = tpu.memref_squeeze %dma_wait3A_120 : memref<1x64xi32, #tpu.memory_space<vmem>> -> memref<64xi32, #tpu.memory_space<vmem>>
    %dma_wait3A_122 = arith.constant 0 : i32
    %dma_wait3A_123 = arith.constant 0 : i32
    %dma_wait3A_124 = tpu.memref_slice %arg3[%dma_wait3A_122, %dma_wait3A_123] : memref<50265x768xf32, #tpu.memory_space<hbm>> -> memref<50265x768xf32, #tpu.memory_space<hbm>>
    tpu.wait_indirect_dma semaphore(%arg8 : memref<!tpu.dma_semaphore, #tpu.memory_space<semaphore_mem>>) src(%dma_wait3A_124 : memref<50265x768xf32, #tpu.memory_space<hbm>>) dst(%dma_wait3A_118 : memref<64x768xf32, #tpu.memory_space<vmem>>)
    %add3A_125 = arith.constant 64 : i32
    %add3A_126 = arith.addi %mul3A_32, %add3A_125 : i32
    %dma_start3A_127 = arith.constant 1 : i32
    %dma_start3A_128 = arith.constant 0 : i32
    %dma_start3A_129 = arith.constant 0 : i32
    %dma_start3A_130 = tpu.memref_slice %arg6[%dma_start3A_127, %dma_start3A_128, %dma_start3A_129] : memref<2x64x768xf32, #tpu.memory_space<vmem>> -> memref<1x64x768xf32, #tpu.memory_space<vmem>>
    %dma_start3A_131 = tpu.memref_squeeze %dma_start3A_130 : memref<1x64x768xf32, #tpu.memory_space<vmem>> -> memref<64x768xf32, #tpu.memory_space<vmem>>
    %dma_start3A_132 = arith.constant 0 : i32
    %dma_start3A_133 = tpu.memref_slice %arg4[%select_n3A, %add3A_126, %dma_start3A_132] : memref<4x4608x768xf32, #tpu.memory_space<hbm>> -> memref<1x64x768xf32, #tpu.memory_space<hbm>>
    %dma_start3A_134 = tpu.memref_squeeze %dma_start3A_133 : memref<1x64x768xf32, #tpu.memory_space<hbm>> -> memref<64x768xf32, #tpu.memory_space<hbm>>
    %dma_start3A_135 = arith.constant 0 : i32
    %dma_start3A_136 = tpu.memref_slice %arg4[%select_n3A, %add3A_126, %dma_start3A_135] : memref<4x4608x768xf32, #tpu.memory_space<hbm>> -> memref<1x64x768xf32, #tpu.memory_space<hbm>>
    %dma_start3A_137 = tpu.memref_squeeze %dma_start3A_136 : memref<1x64x768xf32, #tpu.memory_space<hbm>> -> memref<64x768xf32, #tpu.memory_space<hbm>>
    %dma_start3A_138 = arith.constant 0 : i32
    %dma_start3A_139 = arith.constant 0 : i32
    %dma_start3A_140 = tpu.memref_slice %arg6[%dma_start3A_127, %dma_start3A_138, %dma_start3A_139] : memref<2x64x768xf32, #tpu.memory_space<vmem>> -> memref<1x64x768xf32, #tpu.memory_space<vmem>>
    %dma_start3A_141 = tpu.memref_squeeze %dma_start3A_140 : memref<1x64x768xf32, #tpu.memory_space<vmem>> -> memref<64x768xf32, #tpu.memory_space<vmem>>
    tpu.enqueue_dma source(%dma_start3A_141 : memref<64x768xf32, #tpu.memory_space<vmem>>) target(%dma_start3A_137 : memref<64x768xf32, #tpu.memory_space<hbm>>) target_semaphore(%arg10 : memref<!tpu.dma_semaphore, #tpu.memory_space<semaphore_mem>>)
    %add3A_142 = arith.constant 64 : i32
    %add3A_143 = arith.addi %mul3A_32, %add3A_142 : i32
    %dma_wait3A_144 = arith.constant 1 : i32
    %dma_wait3A_145 = arith.constant 0 : i32
    %dma_wait3A_146 = arith.constant 0 : i32
    %dma_wait3A_147 = tpu.memref_slice %arg6[%dma_wait3A_144, %dma_wait3A_145, %dma_wait3A_146] : memref<2x64x768xf32, #tpu.memory_space<vmem>> -> memref<1x64x768xf32, #tpu.memory_space<vmem>>
    %dma_wait3A_148 = tpu.memref_squeeze %dma_wait3A_147 : memref<1x64x768xf32, #tpu.memory_space<vmem>> -> memref<64x768xf32, #tpu.memory_space<vmem>>
    %dma_wait3A_149 = arith.constant 0 : i32
    %dma_wait3A_150 = tpu.memref_slice %arg4[%select_n3A, %add3A_143, %dma_wait3A_149] : memref<4x4608x768xf32, #tpu.memory_space<hbm>> -> memref<1x64x768xf32, #tpu.memory_space<hbm>>
    %dma_wait3A_151 = tpu.memref_squeeze %dma_wait3A_150 : memref<1x64x768xf32, #tpu.memory_space<hbm>> -> memref<64x768xf32, #tpu.memory_space<hbm>>
    %dma_wait3A_152 = arith.constant 0 : i32
    %dma_wait3A_153 = tpu.memref_slice %arg4[%select_n3A, %add3A_143, %dma_wait3A_152] : memref<4x4608x768xf32, #tpu.memory_space<hbm>> -> memref<1x64x768xf32, #tpu.memory_space<hbm>>
    %dma_wait3A_154 = tpu.memref_squeeze %dma_wait3A_153 : memref<1x64x768xf32, #tpu.memory_space<hbm>> -> memref<64x768xf32, #tpu.memory_space<hbm>>
    %dma_wait3A_155 = arith.constant 0 : i32
    %dma_wait3A_156 = arith.constant 0 : i32
    %dma_wait3A_157 = tpu.memref_slice %arg6[%dma_wait3A_144, %dma_wait3A_155, %dma_wait3A_156] : memref<2x64x768xf32, #tpu.memory_space<vmem>> -> memref<1x64x768xf32, #tpu.memory_space<vmem>>
    %dma_wait3A_158 = tpu.memref_squeeze %dma_wait3A_157 : memref<1x64x768xf32, #tpu.memory_space<vmem>> -> memref<64x768xf32, #tpu.memory_space<vmem>>
    tpu.wait_dma2 semaphore(%arg10 : memref<!tpu.dma_semaphore, #tpu.memory_space<semaphore_mem>>) src(%dma_wait3A_158 : memref<64x768xf32, #tpu.memory_space<vmem>>) dst(%dma_wait3A_154 : memref<64x768xf32, #tpu.memory_space<hbm>>)
    %dma_start3A_159 = arith.constant 3 : i32
    %dma_start3A_160 = arith.constant 1 : i32
    %dma_start3A_161 = arith.constant 0 : i32
    %dma_start3A_162 = arith.constant 0 : i32
    %dma_start3A_163 = tpu.memref_slice %arg6[%dma_start3A_160, %dma_start3A_161, %dma_start3A_162] : memref<2x64x768xf32, #tpu.memory_space<vmem>> -> memref<1x64x768xf32, #tpu.memory_space<vmem>>
    %dma_start3A_164 = tpu.memref_squeeze %dma_start3A_163 : memref<1x64x768xf32, #tpu.memory_space<vmem>> -> memref<64x768xf32, #tpu.memory_space<vmem>>
    %dma_start3A_165 = arith.constant 0 : i32
    %dma_start3A_166 = tpu.memref_slice %arg5[%dma_start3A_159, %dma_start3A_165] : memref<9x64xi32, #tpu.memory_space<vmem>> -> memref<1x64xi32, #tpu.memory_space<vmem>>
    %dma_start3A_167 = tpu.memref_squeeze %dma_start3A_166 : memref<1x64xi32, #tpu.memory_space<vmem>> -> memref<64xi32, #tpu.memory_space<vmem>>
    %dma_start3A_168 = arith.constant 0 : i32
    %dma_start3A_169 = arith.constant 0 : i32
    %dma_start3A_170 = tpu.memref_slice %arg3[%dma_start3A_168, %dma_start3A_169] : memref<50265x768xf32, #tpu.memory_space<hbm>> -> memref<50265x768xf32, #tpu.memory_space<hbm>>
    tpu.enqueue_indirect_dma source(%dma_start3A_170 : memref<50265x768xf32, #tpu.memory_space<hbm>>) target(%dma_start3A_164 : memref<64x768xf32, #tpu.memory_space<vmem>>) offsets(%dma_start3A_167 : memref<64xi32, #tpu.memory_space<vmem>>) semaphore(%arg8 : memref<!tpu.dma_semaphore, #tpu.memory_space<semaphore_mem>>)
    %dma_wait3A_171 = arith.constant 2 : i32
    %dma_wait3A_172 = arith.constant 0 : i32
    %dma_wait3A_173 = arith.constant 0 : i32
    %dma_wait3A_174 = arith.constant 0 : i32
    %dma_wait3A_175 = tpu.memref_slice %arg6[%dma_wait3A_172, %dma_wait3A_173, %dma_wait3A_174] : memref<2x64x768xf32, #tpu.memory_space<vmem>> -> memref<1x64x768xf32, #tpu.memory_space<vmem>>
    %dma_wait3A_176 = tpu.memref_squeeze %dma_wait3A_175 : memref<1x64x768xf32, #tpu.memory_space<vmem>> -> memref<64x768xf32, #tpu.memory_space<vmem>>
    %dma_wait3A_177 = arith.constant 0 : i32
    %dma_wait3A_178 = tpu.memref_slice %arg5[%dma_wait3A_171, %dma_wait3A_177] : memref<9x64xi32, #tpu.memory_space<vmem>> -> memref<1x64xi32, #tpu.memory_space<vmem>>
    %dma_wait3A_179 = tpu.memref_squeeze %dma_wait3A_178 : memref<1x64xi32, #tpu.memory_space<vmem>> -> memref<64xi32, #tpu.memory_space<vmem>>
    %dma_wait3A_180 = arith.constant 0 : i32
    %dma_wait3A_181 = arith.constant 0 : i32
    %dma_wait3A_182 = tpu.memref_slice %arg3[%dma_wait3A_180, %dma_wait3A_181] : memref<50265x768xf32, #tpu.memory_space<hbm>> -> memref<50265x768xf32, #tpu.memory_space<hbm>>
    tpu.wait_indirect_dma semaphore(%arg7 : memref<!tpu.dma_semaphore, #tpu.memory_space<semaphore_mem>>) src(%dma_wait3A_182 : memref<50265x768xf32, #tpu.memory_space<hbm>>) dst(%dma_wait3A_176 : memref<64x768xf32, #tpu.memory_space<vmem>>)
    %add3A_183 = arith.constant 128 : i32
    %add3A_184 = arith.addi %mul3A_32, %add3A_183 : i32
    %dma_start3A_185 = arith.constant 0 : i32
    %dma_start3A_186 = arith.constant 0 : i32
    %dma_start3A_187 = arith.constant 0 : i32
    %dma_start3A_188 = tpu.memref_slice %arg6[%dma_start3A_185, %dma_start3A_186, %dma_start3A_187] : memref<2x64x768xf32, #tpu.memory_space<vmem>> -> memref<1x64x768xf32, #tpu.memory_space<vmem>>
    %dma_start3A_189 = tpu.memref_squeeze %dma_start3A_188 : memref<1x64x768xf32, #tpu.memory_space<vmem>> -> memref<64x768xf32, #tpu.memory_space<vmem>>
    %dma_start3A_190 = arith.constant 0 : i32
    %dma_start3A_191 = tpu.memref_slice %arg4[%select_n3A, %add3A_184, %dma_start3A_190] : memref<4x4608x768xf32, #tpu.memory_space<hbm>> -> memref<1x64x768xf32, #tpu.memory_space<hbm>>
    %dma_start3A_192 = tpu.memref_squeeze %dma_start3A_191 : memref<1x64x768xf32, #tpu.memory_space<hbm>> -> memref<64x768xf32, #tpu.memory_space<hbm>>
    %dma_start3A_193 = arith.constant 0 : i32
    %dma_start3A_194 = tpu.memref_slice %arg4[%select_n3A, %add3A_184, %dma_start3A_193] : memref<4x4608x768xf32, #tpu.memory_space<hbm>> -> memref<1x64x768xf32, #tpu.memory_space<hbm>>
    %dma_start3A_195 = tpu.memref_squeeze %dma_start3A_194 : memref<1x64x768xf32, #tpu.memory_space<hbm>> -> memref<64x768xf32, #tpu.memory_space<hbm>>
    %dma_start3A_196 = arith.constant 0 : i32
    %dma_start3A_197 = arith.constant 0 : i32
    %dma_start3A_198 = tpu.memref_slice %arg6[%dma_start3A_185, %dma_start3A_196, %dma_start3A_197] : memref<2x64x768xf32, #tpu.memory_space<vmem>> -> memref<1x64x768xf32, #tpu.memory_space<vmem>>
    %dma_start3A_199 = tpu.memref_squeeze %dma_start3A_198 : memref<1x64x768xf32, #tpu.memory_space<vmem>> -> memref<64x768xf32, #tpu.memory_space<vmem>>
    tpu.enqueue_dma source(%dma_start3A_199 : memref<64x768xf32, #tpu.memory_space<vmem>>) target(%dma_start3A_195 : memref<64x768xf32, #tpu.memory_space<hbm>>) target_semaphore(%arg9 : memref<!tpu.dma_semaphore, #tpu.memory_space<semaphore_mem>>)
    %add3A_200 = arith.constant 128 : i32
    %add3A_201 = arith.addi %mul3A_32, %add3A_200 : i32
    %dma_wait3A_202 = arith.constant 0 : i32
    %dma_wait3A_203 = arith.constant 0 : i32
    %dma_wait3A_204 = arith.constant 0 : i32
    %dma_wait3A_205 = tpu.memref_slice %arg6[%dma_wait3A_202, %dma_wait3A_203, %dma_wait3A_204] : memref<2x64x768xf32, #tpu.memory_space<vmem>> -> memref<1x64x768xf32, #tpu.memory_space<vmem>>
    %dma_wait3A_206 = tpu.memref_squeeze %dma_wait3A_205 : memref<1x64x768xf32, #tpu.memory_space<vmem>> -> memref<64x768xf32, #tpu.memory_space<vmem>>
    %dma_wait3A_207 = arith.constant 0 : i32
    %dma_wait3A_208 = tpu.memref_slice %arg4[%select_n3A, %add3A_201, %dma_wait3A_207] : memref<4x4608x768xf32, #tpu.memory_space<hbm>> -> memref<1x64x768xf32, #tpu.memory_space<hbm>>
    %dma_wait3A_209 = tpu.memref_squeeze %dma_wait3A_208 : memref<1x64x768xf32, #tpu.memory_space<hbm>> -> memref<64x768xf32, #tpu.memory_space<hbm>>
    %dma_wait3A_210 = arith.constant 0 : i32
    %dma_wait3A_211 = tpu.memref_slice %arg4[%select_n3A, %add3A_201, %dma_wait3A_210] : memref<4x4608x768xf32, #tpu.memory_space<hbm>> -> memref<1x64x768xf32, #tpu.memory_space<hbm>>
    %dma_wait3A_212 = tpu.memref_squeeze %dma_wait3A_211 : memref<1x64x768xf32, #tpu.memory_space<hbm>> -> memref<64x768xf32, #tpu.memory_space<hbm>>
    %dma_wait3A_213 = arith.constant 0 : i32
    %dma_wait3A_214 = arith.constant 0 : i32
    %dma_wait3A_215 = tpu.memref_slice %arg6[%dma_wait3A_202, %dma_wait3A_213, %dma_wait3A_214] : memref<2x64x768xf32, #tpu.memory_space<vmem>> -> memref<1x64x768xf32, #tpu.memory_space<vmem>>
    %dma_wait3A_216 = tpu.memref_squeeze %dma_wait3A_215 : memref<1x64x768xf32, #tpu.memory_space<vmem>> -> memref<64x768xf32, #tpu.memory_space<vmem>>
    tpu.wait_dma2 semaphore(%arg9 : memref<!tpu.dma_semaphore, #tpu.memory_space<semaphore_mem>>) src(%dma_wait3A_216 : memref<64x768xf32, #tpu.memory_space<vmem>>) dst(%dma_wait3A_212 : memref<64x768xf32, #tpu.memory_space<hbm>>)
    %dma_start3A_217 = arith.constant 4 : i32
    %dma_start3A_218 = arith.constant 0 : i32
    %dma_start3A_219 = arith.constant 0 : i32
    %dma_start3A_220 = arith.constant 0 : i32
    %dma_start3A_221 = tpu.memref_slice %arg6[%dma_start3A_218, %dma_start3A_219, %dma_start3A_220] : memref<2x64x768xf32, #tpu.memory_space<vmem>> -> memref<1x64x768xf32, #tpu.memory_space<vmem>>
    %dma_start3A_222 = tpu.memref_squeeze %dma_start3A_221 : memref<1x64x768xf32, #tpu.memory_space<vmem>> -> memref<64x768xf32, #tpu.memory_space<vmem>>
    %dma_start3A_223 = arith.constant 0 : i32
    %dma_start3A_224 = tpu.memref_slice %arg5[%dma_start3A_217, %dma_start3A_223] : memref<9x64xi32, #tpu.memory_space<vmem>> -> memref<1x64xi32, #tpu.memory_space<vmem>>
    %dma_start3A_225 = tpu.memref_squeeze %dma_start3A_224 : memref<1x64xi32, #tpu.memory_space<vmem>> -> memref<64xi32, #tpu.memory_space<vmem>>
    %dma_start3A_226 = arith.constant 0 : i32
    %dma_start3A_227 = arith.constant 0 : i32
    %dma_start3A_228 = tpu.memref_slice %arg3[%dma_start3A_226, %dma_start3A_227] : memref<50265x768xf32, #tpu.memory_space<hbm>> -> memref<50265x768xf32, #tpu.memory_space<hbm>>
    tpu.enqueue_indirect_dma source(%dma_start3A_228 : memref<50265x768xf32, #tpu.memory_space<hbm>>) target(%dma_start3A_222 : memref<64x768xf32, #tpu.memory_space<vmem>>) offsets(%dma_start3A_225 : memref<64xi32, #tpu.memory_space<vmem>>) semaphore(%arg7 : memref<!tpu.dma_semaphore, #tpu.memory_space<semaphore_mem>>)
    %dma_wait3A_229 = arith.constant 3 : i32
    %dma_wait3A_230 = arith.constant 1 : i32
    %dma_wait3A_231 = arith.constant 0 : i32
    %dma_wait3A_232 = arith.constant 0 : i32
    %dma_wait3A_233 = tpu.memref_slice %arg6[%dma_wait3A_230, %dma_wait3A_231, %dma_wait3A_232] : memref<2x64x768xf32, #tpu.memory_space<vmem>> -> memref<1x64x768xf32, #tpu.memory_space<vmem>>
    %dma_wait3A_234 = tpu.memref_squeeze %dma_wait3A_233 : memref<1x64x768xf32, #tpu.memory_space<vmem>> -> memref<64x768xf32, #tpu.memory_space<vmem>>
    %dma_wait3A_235 = arith.constant 0 : i32
    %dma_wait3A_236 = tpu.memref_slice %arg5[%dma_wait3A_229, %dma_wait3A_235] : memref<9x64xi32, #tpu.memory_space<vmem>> -> memref<1x64xi32, #tpu.memory_space<vmem>>
    %dma_wait3A_237 = tpu.memref_squeeze %dma_wait3A_236 : memref<1x64xi32, #tpu.memory_space<vmem>> -> memref<64xi32, #tpu.memory_space<vmem>>
    %dma_wait3A_238 = arith.constant 0 : i32
    %dma_wait3A_239 = arith.constant 0 : i32
    %dma_wait3A_240 = tpu.memref_slice %arg3[%dma_wait3A_238, %dma_wait3A_239] : memref<50265x768xf32, #tpu.memory_space<hbm>> -> memref<50265x768xf32, #tpu.memory_space<hbm>>
    tpu.wait_indirect_dma semaphore(%arg8 : memref<!tpu.dma_semaphore, #tpu.memory_space<semaphore_mem>>) src(%dma_wait3A_240 : memref<50265x768xf32, #tpu.memory_space<hbm>>) dst(%dma_wait3A_234 : memref<64x768xf32, #tpu.memory_space<vmem>>)
    %add3A_241 = arith.constant 192 : i32
    %add3A_242 = arith.addi %mul3A_32, %add3A_241 : i32
    %dma_start3A_243 = arith.constant 1 : i32
    %dma_start3A_244 = arith.constant 0 : i32
    %dma_start3A_245 = arith.constant 0 : i32
    %dma_start3A_246 = tpu.memref_slice %arg6[%dma_start3A_243, %dma_start3A_244, %dma_start3A_245] : memref<2x64x768xf32, #tpu.memory_space<vmem>> -> memref<1x64x768xf32, #tpu.memory_space<vmem>>
    %dma_start3A_247 = tpu.memref_squeeze %dma_start3A_246 : memref<1x64x768xf32, #tpu.memory_space<vmem>> -> memref<64x768xf32, #tpu.memory_space<vmem>>
    %dma_start3A_248 = arith.constant 0 : i32
    %dma_start3A_249 = tpu.memref_slice %arg4[%select_n3A, %add3A_242, %dma_start3A_248] : memref<4x4608x768xf32, #tpu.memory_space<hbm>> -> memref<1x64x768xf32, #tpu.memory_space<hbm>>
    %dma_start3A_250 = tpu.memref_squeeze %dma_start3A_249 : memref<1x64x768xf32, #tpu.memory_space<hbm>> -> memref<64x768xf32, #tpu.memory_space<hbm>>
    %dma_start3A_251 = arith.constant 0 : i32
    %dma_start3A_252 = tpu.memref_slice %arg4[%select_n3A, %add3A_242, %dma_start3A_251] : memref<4x4608x768xf32, #tpu.memory_space<hbm>> -> memref<1x64x768xf32, #tpu.memory_space<hbm>>
    %dma_start3A_253 = tpu.memref_squeeze %dma_start3A_252 : memref<1x64x768xf32, #tpu.memory_space<hbm>> -> memref<64x768xf32, #tpu.memory_space<hbm>>
    %dma_start3A_254 = arith.constant 0 : i32
    %dma_start3A_255 = arith.constant 0 : i32
    %dma_start3A_256 = tpu.memref_slice %arg6[%dma_start3A_243, %dma_start3A_254, %dma_start3A_255] : memref<2x64x768xf32, #tpu.memory_space<vmem>> -> memref<1x64x768xf32, #tpu.memory_space<vmem>>
    %dma_start3A_257 = tpu.memref_squeeze %dma_start3A_256 : memref<1x64x768xf32, #tpu.memory_space<vmem>> -> memref<64x768xf32, #tpu.memory_space<vmem>>
    tpu.enqueue_dma source(%dma_start3A_257 : memref<64x768xf32, #tpu.memory_space<vmem>>) target(%dma_start3A_253 : memref<64x768xf32, #tpu.memory_space<hbm>>) target_semaphore(%arg10 : memref<!tpu.dma_semaphore, #tpu.memory_space<semaphore_mem>>)
    %add3A_258 = arith.constant 192 : i32
    %add3A_259 = arith.addi %mul3A_32, %add3A_258 : i32
    %dma_wait3A_260 = arith.constant 1 : i32
    %dma_wait3A_261 = arith.constant 0 : i32
    %dma_wait3A_262 = arith.constant 0 : i32
    %dma_wait3A_263 = tpu.memref_slice %arg6[%dma_wait3A_260, %dma_wait3A_261, %dma_wait3A_262] : memref<2x64x768xf32, #tpu.memory_space<vmem>> -> memref<1x64x768xf32, #tpu.memory_space<vmem>>
    %dma_wait3A_264 = tpu.memref_squeeze %dma_wait3A_263 : memref<1x64x768xf32, #tpu.memory_space<vmem>> -> memref<64x768xf32, #tpu.memory_space<vmem>>
    %dma_wait3A_265 = arith.constant 0 : i32
    %dma_wait3A_266 = tpu.memref_slice %arg4[%select_n3A, %add3A_259, %dma_wait3A_265] : memref<4x4608x768xf32, #tpu.memory_space<hbm>> -> memref<1x64x768xf32, #tpu.memory_space<hbm>>
    %dma_wait3A_267 = tpu.memref_squeeze %dma_wait3A_266 : memref<1x64x768xf32, #tpu.memory_space<hbm>> -> memref<64x768xf32, #tpu.memory_space<hbm>>
    %dma_wait3A_268 = arith.constant 0 : i32
    %dma_wait3A_269 = tpu.memref_slice %arg4[%select_n3A, %add3A_259, %dma_wait3A_268] : memref<4x4608x768xf32, #tpu.memory_space<hbm>> -> memref<1x64x768xf32, #tpu.memory_space<hbm>>
    %dma_wait3A_270 = tpu.memref_squeeze %dma_wait3A_269 : memref<1x64x768xf32, #tpu.memory_space<hbm>> -> memref<64x768xf32, #tpu.memory_space<hbm>>
    %dma_wait3A_271 = arith.constant 0 : i32
    %dma_wait3A_272 = arith.constant 0 : i32
    %dma_wait3A_273 = tpu.memref_slice %arg6[%dma_wait3A_260, %dma_wait3A_271, %dma_wait3A_272] : memref<2x64x768xf32, #tpu.memory_space<vmem>> -> memref<1x64x768xf32, #tpu.memory_space<vmem>>
    %dma_wait3A_274 = tpu.memref_squeeze %dma_wait3A_273 : memref<1x64x768xf32, #tpu.memory_space<vmem>> -> memref<64x768xf32, #tpu.memory_space<vmem>>
    tpu.wait_dma2 semaphore(%arg10 : memref<!tpu.dma_semaphore, #tpu.memory_space<semaphore_mem>>) src(%dma_wait3A_274 : memref<64x768xf32, #tpu.memory_space<vmem>>) dst(%dma_wait3A_270 : memref<64x768xf32, #tpu.memory_space<hbm>>)
    %dma_start3A_275 = arith.constant 5 : i32
    %dma_start3A_276 = arith.constant 1 : i32
    %dma_start3A_277 = arith.constant 0 : i32
    %dma_start3A_278 = arith.constant 0 : i32
    %dma_start3A_279 = tpu.memref_slice %arg6[%dma_start3A_276, %dma_start3A_277, %dma_start3A_278] : memref<2x64x768xf32, #tpu.memory_space<vmem>> -> memref<1x64x768xf32, #tpu.memory_space<vmem>>
    %dma_start3A_280 = tpu.memref_squeeze %dma_start3A_279 : memref<1x64x768xf32, #tpu.memory_space<vmem>> -> memref<64x768xf32, #tpu.memory_space<vmem>>
    %dma_start3A_281 = arith.constant 0 : i32
    %dma_start3A_282 = tpu.memref_slice %arg5[%dma_start3A_275, %dma_start3A_281] : memref<9x64xi32, #tpu.memory_space<vmem>> -> memref<1x64xi32, #tpu.memory_space<vmem>>
    %dma_start3A_283 = tpu.memref_squeeze %dma_start3A_282 : memref<1x64xi32, #tpu.memory_space<vmem>> -> memref<64xi32, #tpu.memory_space<vmem>>
    %dma_start3A_284 = arith.constant 0 : i32
    %dma_start3A_285 = arith.constant 0 : i32
    %dma_start3A_286 = tpu.memref_slice %arg3[%dma_start3A_284, %dma_start3A_285] : memref<50265x768xf32, #tpu.memory_space<hbm>> -> memref<50265x768xf32, #tpu.memory_space<hbm>>
    tpu.enqueue_indirect_dma source(%dma_start3A_286 : memref<50265x768xf32, #tpu.memory_space<hbm>>) target(%dma_start3A_280 : memref<64x768xf32, #tpu.memory_space<vmem>>) offsets(%dma_start3A_283 : memref<64xi32, #tpu.memory_space<vmem>>) semaphore(%arg8 : memref<!tpu.dma_semaphore, #tpu.memory_space<semaphore_mem>>)
    %dma_wait3A_287 = arith.constant 4 : i32
    %dma_wait3A_288 = arith.constant 0 : i32
    %dma_wait3A_289 = arith.constant 0 : i32
    %dma_wait3A_290 = arith.constant 0 : i32
    %dma_wait3A_291 = tpu.memref_slice %arg6[%dma_wait3A_288, %dma_wait3A_289, %dma_wait3A_290] : memref<2x64x768xf32, #tpu.memory_space<vmem>> -> memref<1x64x768xf32, #tpu.memory_space<vmem>>
    %dma_wait3A_292 = tpu.memref_squeeze %dma_wait3A_291 : memref<1x64x768xf32, #tpu.memory_space<vmem>> -> memref<64x768xf32, #tpu.memory_space<vmem>>
    %dma_wait3A_293 = arith.constant 0 : i32
    %dma_wait3A_294 = tpu.memref_slice %arg5[%dma_wait3A_287, %dma_wait3A_293] : memref<9x64xi32, #tpu.memory_space<vmem>> -> memref<1x64xi32, #tpu.memory_space<vmem>>
    %dma_wait3A_295 = tpu.memref_squeeze %dma_wait3A_294 : memref<1x64xi32, #tpu.memory_space<vmem>> -> memref<64xi32, #tpu.memory_space<vmem>>
    %dma_wait3A_296 = arith.constant 0 : i32
    %dma_wait3A_297 = arith.constant 0 : i32
    %dma_wait3A_298 = tpu.memref_slice %arg3[%dma_wait3A_296, %dma_wait3A_297] : memref<50265x768xf32, #tpu.memory_space<hbm>> -> memref<50265x768xf32, #tpu.memory_space<hbm>>
    tpu.wait_indirect_dma semaphore(%arg7 : memref<!tpu.dma_semaphore, #tpu.memory_space<semaphore_mem>>) src(%dma_wait3A_298 : memref<50265x768xf32, #tpu.memory_space<hbm>>) dst(%dma_wait3A_292 : memref<64x768xf32, #tpu.memory_space<vmem>>)
    %add3A_299 = arith.constant 256 : i32
    %add3A_300 = arith.addi %mul3A_32, %add3A_299 : i32
    %dma_start3A_301 = arith.constant 0 : i32
    %dma_start3A_302 = arith.constant 0 : i32
    %dma_start3A_303 = arith.constant 0 : i32
    %dma_start3A_304 = tpu.memref_slice %arg6[%dma_start3A_301, %dma_start3A_302, %dma_start3A_303] : memref<2x64x768xf32, #tpu.memory_space<vmem>> -> memref<1x64x768xf32, #tpu.memory_space<vmem>>
    %dma_start3A_305 = tpu.memref_squeeze %dma_start3A_304 : memref<1x64x768xf32, #tpu.memory_space<vmem>> -> memref<64x768xf32, #tpu.memory_space<vmem>>
    %dma_start3A_306 = arith.constant 0 : i32
    %dma_start3A_307 = tpu.memref_slice %arg4[%select_n3A, %add3A_300, %dma_start3A_306] : memref<4x4608x768xf32, #tpu.memory_space<hbm>> -> memref<1x64x768xf32, #tpu.memory_space<hbm>>
    %dma_start3A_308 = tpu.memref_squeeze %dma_start3A_307 : memref<1x64x768xf32, #tpu.memory_space<hbm>> -> memref<64x768xf32, #tpu.memory_space<hbm>>
    %dma_start3A_309 = arith.constant 0 : i32
    %dma_start3A_310 = tpu.memref_slice %arg4[%select_n3A, %add3A_300, %dma_start3A_309] : memref<4x4608x768xf32, #tpu.memory_space<hbm>> -> memref<1x64x768xf32, #tpu.memory_space<hbm>>
    %dma_start3A_311 = tpu.memref_squeeze %dma_start3A_310 : memref<1x64x768xf32, #tpu.memory_space<hbm>> -> memref<64x768xf32, #tpu.memory_space<hbm>>
    %dma_start3A_312 = arith.constant 0 : i32
    %dma_start3A_313 = arith.constant 0 : i32
    %dma_start3A_314 = tpu.memref_slice %arg6[%dma_start3A_301, %dma_start3A_312, %dma_start3A_313] : memref<2x64x768xf32, #tpu.memory_space<vmem>> -> memref<1x64x768xf32, #tpu.memory_space<vmem>>
    %dma_start3A_315 = tpu.memref_squeeze %dma_start3A_314 : memref<1x64x768xf32, #tpu.memory_space<vmem>> -> memref<64x768xf32, #tpu.memory_space<vmem>>
    tpu.enqueue_dma source(%dma_start3A_315 : memref<64x768xf32, #tpu.memory_space<vmem>>) target(%dma_start3A_311 : memref<64x768xf32, #tpu.memory_space<hbm>>) target_semaphore(%arg9 : memref<!tpu.dma_semaphore, #tpu.memory_space<semaphore_mem>>)
    %add3A_316 = arith.constant 256 : i32
    %add3A_317 = arith.addi %mul3A_32, %add3A_316 : i32
    %dma_wait3A_318 = arith.constant 0 : i32
    %dma_wait3A_319 = arith.constant 0 : i32
    %dma_wait3A_320 = arith.constant 0 : i32
    %dma_wait3A_321 = tpu.memref_slice %arg6[%dma_wait3A_318, %dma_wait3A_319, %dma_wait3A_320] : memref<2x64x768xf32, #tpu.memory_space<vmem>> -> memref<1x64x768xf32, #tpu.memory_space<vmem>>
    %dma_wait3A_322 = tpu.memref_squeeze %dma_wait3A_321 : memref<1x64x768xf32, #tpu.memory_space<vmem>> -> memref<64x768xf32, #tpu.memory_space<vmem>>
    %dma_wait3A_323 = arith.constant 0 : i32
    %dma_wait3A_324 = tpu.memref_slice %arg4[%select_n3A, %add3A_317, %dma_wait3A_323] : memref<4x4608x768xf32, #tpu.memory_space<hbm>> -> memref<1x64x768xf32, #tpu.memory_space<hbm>>
    %dma_wait3A_325 = tpu.memref_squeeze %dma_wait3A_324 : memref<1x64x768xf32, #tpu.memory_space<hbm>> -> memref<64x768xf32, #tpu.memory_space<hbm>>
    %dma_wait3A_326 = arith.constant 0 : i32
    %dma_wait3A_327 = tpu.memref_slice %arg4[%select_n3A, %add3A_317, %dma_wait3A_326] : memref<4x4608x768xf32, #tpu.memory_space<hbm>> -> memref<1x64x768xf32, #tpu.memory_space<hbm>>
    %dma_wait3A_328 = tpu.memref_squeeze %dma_wait3A_327 : memref<1x64x768xf32, #tpu.memory_space<hbm>> -> memref<64x768xf32, #tpu.memory_space<hbm>>
    %dma_wait3A_329 = arith.constant 0 : i32
    %dma_wait3A_330 = arith.constant 0 : i32
    %dma_wait3A_331 = tpu.memref_slice %arg6[%dma_wait3A_318, %dma_wait3A_329, %dma_wait3A_330] : memref<2x64x768xf32, #tpu.memory_space<vmem>> -> memref<1x64x768xf32, #tpu.memory_space<vmem>>
    %dma_wait3A_332 = tpu.memref_squeeze %dma_wait3A_331 : memref<1x64x768xf32, #tpu.memory_space<vmem>> -> memref<64x768xf32, #tpu.memory_space<vmem>>
    tpu.wait_dma2 semaphore(%arg9 : memref<!tpu.dma_semaphore, #tpu.memory_space<semaphore_mem>>) src(%dma_wait3A_332 : memref<64x768xf32, #tpu.memory_space<vmem>>) dst(%dma_wait3A_328 : memref<64x768xf32, #tpu.memory_space<hbm>>)
    %dma_start3A_333 = arith.constant 6 : i32
    %dma_start3A_334 = arith.constant 0 : i32
    %dma_start3A_335 = arith.constant 0 : i32
    %dma_start3A_336 = arith.constant 0 : i32
    %dma_start3A_337 = tpu.memref_slice %arg6[%dma_start3A_334, %dma_start3A_335, %dma_start3A_336] : memref<2x64x768xf32, #tpu.memory_space<vmem>> -> memref<1x64x768xf32, #tpu.memory_space<vmem>>
    %dma_start3A_338 = tpu.memref_squeeze %dma_start3A_337 : memref<1x64x768xf32, #tpu.memory_space<vmem>> -> memref<64x768xf32, #tpu.memory_space<vmem>>
    %dma_start3A_339 = arith.constant 0 : i32
    %dma_start3A_340 = tpu.memref_slice %arg5[%dma_start3A_333, %dma_start3A_339] : memref<9x64xi32, #tpu.memory_space<vmem>> -> memref<1x64xi32, #tpu.memory_space<vmem>>
    %dma_start3A_341 = tpu.memref_squeeze %dma_start3A_340 : memref<1x64xi32, #tpu.memory_space<vmem>> -> memref<64xi32, #tpu.memory_space<vmem>>
    %dma_start3A_342 = arith.constant 0 : i32
    %dma_start3A_343 = arith.constant 0 : i32
    %dma_start3A_344 = tpu.memref_slice %arg3[%dma_start3A_342, %dma_start3A_343] : memref<50265x768xf32, #tpu.memory_space<hbm>> -> memref<50265x768xf32, #tpu.memory_space<hbm>>
    tpu.enqueue_indirect_dma source(%dma_start3A_344 : memref<50265x768xf32, #tpu.memory_space<hbm>>) target(%dma_start3A_338 : memref<64x768xf32, #tpu.memory_space<vmem>>) offsets(%dma_start3A_341 : memref<64xi32, #tpu.memory_space<vmem>>) semaphore(%arg7 : memref<!tpu.dma_semaphore, #tpu.memory_space<semaphore_mem>>)
    %dma_wait3A_345 = arith.constant 5 : i32
    %dma_wait3A_346 = arith.constant 1 : i32
    %dma_wait3A_347 = arith.constant 0 : i32
    %dma_wait3A_348 = arith.constant 0 : i32
    %dma_wait3A_349 = tpu.memref_slice %arg6[%dma_wait3A_346, %dma_wait3A_347, %dma_wait3A_348] : memref<2x64x768xf32, #tpu.memory_space<vmem>> -> memref<1x64x768xf32, #tpu.memory_space<vmem>>
    %dma_wait3A_350 = tpu.memref_squeeze %dma_wait3A_349 : memref<1x64x768xf32, #tpu.memory_space<vmem>> -> memref<64x768xf32, #tpu.memory_space<vmem>>
    %dma_wait3A_351 = arith.constant 0 : i32
    %dma_wait3A_352 = tpu.memref_slice %arg5[%dma_wait3A_345, %dma_wait3A_351] : memref<9x64xi32, #tpu.memory_space<vmem>> -> memref<1x64xi32, #tpu.memory_space<vmem>>
    %dma_wait3A_353 = tpu.memref_squeeze %dma_wait3A_352 : memref<1x64xi32, #tpu.memory_space<vmem>> -> memref<64xi32, #tpu.memory_space<vmem>>
    %dma_wait3A_354 = arith.constant 0 : i32
    %dma_wait3A_355 = arith.constant 0 : i32
    %dma_wait3A_356 = tpu.memref_slice %arg3[%dma_wait3A_354, %dma_wait3A_355] : memref<50265x768xf32, #tpu.memory_space<hbm>> -> memref<50265x768xf32, #tpu.memory_space<hbm>>
    tpu.wait_indirect_dma semaphore(%arg8 : memref<!tpu.dma_semaphore, #tpu.memory_space<semaphore_mem>>) src(%dma_wait3A_356 : memref<50265x768xf32, #tpu.memory_space<hbm>>) dst(%dma_wait3A_350 : memref<64x768xf32, #tpu.memory_space<vmem>>)
    %add3A_357 = arith.constant 320 : i32
    %add3A_358 = arith.addi %mul3A_32, %add3A_357 : i32
    %dma_start3A_359 = arith.constant 1 : i32
    %dma_start3A_360 = arith.constant 0 : i32
    %dma_start3A_361 = arith.constant 0 : i32
    %dma_start3A_362 = tpu.memref_slice %arg6[%dma_start3A_359, %dma_start3A_360, %dma_start3A_361] : memref<2x64x768xf32, #tpu.memory_space<vmem>> -> memref<1x64x768xf32, #tpu.memory_space<vmem>>
    %dma_start3A_363 = tpu.memref_squeeze %dma_start3A_362 : memref<1x64x768xf32, #tpu.memory_space<vmem>> -> memref<64x768xf32, #tpu.memory_space<vmem>>
    %dma_start3A_364 = arith.constant 0 : i32
    %dma_start3A_365 = tpu.memref_slice %arg4[%select_n3A, %add3A_358, %dma_start3A_364] : memref<4x4608x768xf32, #tpu.memory_space<hbm>> -> memref<1x64x768xf32, #tpu.memory_space<hbm>>
    %dma_start3A_366 = tpu.memref_squeeze %dma_start3A_365 : memref<1x64x768xf32, #tpu.memory_space<hbm>> -> memref<64x768xf32, #tpu.memory_space<hbm>>
    %dma_start3A_367 = arith.constant 0 : i32
    %dma_start3A_368 = tpu.memref_slice %arg4[%select_n3A, %add3A_358, %dma_start3A_367] : memref<4x4608x768xf32, #tpu.memory_space<hbm>> -> memref<1x64x768xf32, #tpu.memory_space<hbm>>
    %dma_start3A_369 = tpu.memref_squeeze %dma_start3A_368 : memref<1x64x768xf32, #tpu.memory_space<hbm>> -> memref<64x768xf32, #tpu.memory_space<hbm>>
    %dma_start3A_370 = arith.constant 0 : i32
    %dma_start3A_371 = arith.constant 0 : i32
    %dma_start3A_372 = tpu.memref_slice %arg6[%dma_start3A_359, %dma_start3A_370, %dma_start3A_371] : memref<2x64x768xf32, #tpu.memory_space<vmem>> -> memref<1x64x768xf32, #tpu.memory_space<vmem>>
    %dma_start3A_373 = tpu.memref_squeeze %dma_start3A_372 : memref<1x64x768xf32, #tpu.memory_space<vmem>> -> memref<64x768xf32, #tpu.memory_space<vmem>>
    tpu.enqueue_dma source(%dma_start3A_373 : memref<64x768xf32, #tpu.memory_space<vmem>>) target(%dma_start3A_369 : memref<64x768xf32, #tpu.memory_space<hbm>>) target_semaphore(%arg10 : memref<!tpu.dma_semaphore, #tpu.memory_space<semaphore_mem>>)
    %add3A_374 = arith.constant 320 : i32
    %add3A_375 = arith.addi %mul3A_32, %add3A_374 : i32
    %dma_wait3A_376 = arith.constant 1 : i32
    %dma_wait3A_377 = arith.constant 0 : i32
    %dma_wait3A_378 = arith.constant 0 : i32
    %dma_wait3A_379 = tpu.memref_slice %arg6[%dma_wait3A_376, %dma_wait3A_377, %dma_wait3A_378] : memref<2x64x768xf32, #tpu.memory_space<vmem>> -> memref<1x64x768xf32, #tpu.memory_space<vmem>>
    %dma_wait3A_380 = tpu.memref_squeeze %dma_wait3A_379 : memref<1x64x768xf32, #tpu.memory_space<vmem>> -> memref<64x768xf32, #tpu.memory_space<vmem>>
    %dma_wait3A_381 = arith.constant 0 : i32
    %dma_wait3A_382 = tpu.memref_slice %arg4[%select_n3A, %add3A_375, %dma_wait3A_381] : memref<4x4608x768xf32, #tpu.memory_space<hbm>> -> memref<1x64x768xf32, #tpu.memory_space<hbm>>
    %dma_wait3A_383 = tpu.memref_squeeze %dma_wait3A_382 : memref<1x64x768xf32, #tpu.memory_space<hbm>> -> memref<64x768xf32, #tpu.memory_space<hbm>>
    %dma_wait3A_384 = arith.constant 0 : i32
    %dma_wait3A_385 = tpu.memref_slice %arg4[%select_n3A, %add3A_375, %dma_wait3A_384] : memref<4x4608x768xf32, #tpu.memory_space<hbm>> -> memref<1x64x768xf32, #tpu.memory_space<hbm>>
    %dma_wait3A_386 = tpu.memref_squeeze %dma_wait3A_385 : memref<1x64x768xf32, #tpu.memory_space<hbm>> -> memref<64x768xf32, #tpu.memory_space<hbm>>
    %dma_wait3A_387 = arith.constant 0 : i32
    %dma_wait3A_388 = arith.constant 0 : i32
    %dma_wait3A_389 = tpu.memref_slice %arg6[%dma_wait3A_376, %dma_wait3A_387, %dma_wait3A_388] : memref<2x64x768xf32, #tpu.memory_space<vmem>> -> memref<1x64x768xf32, #tpu.memory_space<vmem>>
    %dma_wait3A_390 = tpu.memref_squeeze %dma_wait3A_389 : memref<1x64x768xf32, #tpu.memory_space<vmem>> -> memref<64x768xf32, #tpu.memory_space<vmem>>
    tpu.wait_dma2 semaphore(%arg10 : memref<!tpu.dma_semaphore, #tpu.memory_space<semaphore_mem>>) src(%dma_wait3A_390 : memref<64x768xf32, #tpu.memory_space<vmem>>) dst(%dma_wait3A_386 : memref<64x768xf32, #tpu.memory_space<hbm>>)
    %dma_start3A_391 = arith.constant 7 : i32
    %dma_start3A_392 = arith.constant 1 : i32
    %dma_start3A_393 = arith.constant 0 : i32
    %dma_start3A_394 = arith.constant 0 : i32
    %dma_start3A_395 = tpu.memref_slice %arg6[%dma_start3A_392, %dma_start3A_393, %dma_start3A_394] : memref<2x64x768xf32, #tpu.memory_space<vmem>> -> memref<1x64x768xf32, #tpu.memory_space<vmem>>
    %dma_start3A_396 = tpu.memref_squeeze %dma_start3A_395 : memref<1x64x768xf32, #tpu.memory_space<vmem>> -> memref<64x768xf32, #tpu.memory_space<vmem>>
    %dma_start3A_397 = arith.constant 0 : i32
    %dma_start3A_398 = tpu.memref_slice %arg5[%dma_start3A_391, %dma_start3A_397] : memref<9x64xi32, #tpu.memory_space<vmem>> -> memref<1x64xi32, #tpu.memory_space<vmem>>
    %dma_start3A_399 = tpu.memref_squeeze %dma_start3A_398 : memref<1x64xi32, #tpu.memory_space<vmem>> -> memref<64xi32, #tpu.memory_space<vmem>>
    %dma_start3A_400 = arith.constant 0 : i32
    %dma_start3A_401 = arith.constant 0 : i32
    %dma_start3A_402 = tpu.memref_slice %arg3[%dma_start3A_400, %dma_start3A_401] : memref<50265x768xf32, #tpu.memory_space<hbm>> -> memref<50265x768xf32, #tpu.memory_space<hbm>>
    tpu.enqueue_indirect_dma source(%dma_start3A_402 : memref<50265x768xf32, #tpu.memory_space<hbm>>) target(%dma_start3A_396 : memref<64x768xf32, #tpu.memory_space<vmem>>) offsets(%dma_start3A_399 : memref<64xi32, #tpu.memory_space<vmem>>) semaphore(%arg8 : memref<!tpu.dma_semaphore, #tpu.memory_space<semaphore_mem>>)
    %dma_wait3A_403 = arith.constant 6 : i32
    %dma_wait3A_404 = arith.constant 0 : i32
    %dma_wait3A_405 = arith.constant 0 : i32
    %dma_wait3A_406 = arith.constant 0 : i32
    %dma_wait3A_407 = tpu.memref_slice %arg6[%dma_wait3A_404, %dma_wait3A_405, %dma_wait3A_406] : memref<2x64x768xf32, #tpu.memory_space<vmem>> -> memref<1x64x768xf32, #tpu.memory_space<vmem>>
    %dma_wait3A_408 = tpu.memref_squeeze %dma_wait3A_407 : memref<1x64x768xf32, #tpu.memory_space<vmem>> -> memref<64x768xf32, #tpu.memory_space<vmem>>
    %dma_wait3A_409 = arith.constant 0 : i32
    %dma_wait3A_410 = tpu.memref_slice %arg5[%dma_wait3A_403, %dma_wait3A_409] : memref<9x64xi32, #tpu.memory_space<vmem>> -> memref<1x64xi32, #tpu.memory_space<vmem>>
    %dma_wait3A_411 = tpu.memref_squeeze %dma_wait3A_410 : memref<1x64xi32, #tpu.memory_space<vmem>> -> memref<64xi32, #tpu.memory_space<vmem>>
    %dma_wait3A_412 = arith.constant 0 : i32
    %dma_wait3A_413 = arith.constant 0 : i32
    %dma_wait3A_414 = tpu.memref_slice %arg3[%dma_wait3A_412, %dma_wait3A_413] : memref<50265x768xf32, #tpu.memory_space<hbm>> -> memref<50265x768xf32, #tpu.memory_space<hbm>>
    tpu.wait_indirect_dma semaphore(%arg7 : memref<!tpu.dma_semaphore, #tpu.memory_space<semaphore_mem>>) src(%dma_wait3A_414 : memref<50265x768xf32, #tpu.memory_space<hbm>>) dst(%dma_wait3A_408 : memref<64x768xf32, #tpu.memory_space<vmem>>)
    %add3A_415 = arith.constant 384 : i32
    %add3A_416 = arith.addi %mul3A_32, %add3A_415 : i32
    %dma_start3A_417 = arith.constant 0 : i32
    %dma_start3A_418 = arith.constant 0 : i32
    %dma_start3A_419 = arith.constant 0 : i32
    %dma_start3A_420 = tpu.memref_slice %arg6[%dma_start3A_417, %dma_start3A_418, %dma_start3A_419] : memref<2x64x768xf32, #tpu.memory_space<vmem>> -> memref<1x64x768xf32, #tpu.memory_space<vmem>>
    %dma_start3A_421 = tpu.memref_squeeze %dma_start3A_420 : memref<1x64x768xf32, #tpu.memory_space<vmem>> -> memref<64x768xf32, #tpu.memory_space<vmem>>
    %dma_start3A_422 = arith.constant 0 : i32
    %dma_start3A_423 = tpu.memref_slice %arg4[%select_n3A, %add3A_416, %dma_start3A_422] : memref<4x4608x768xf32, #tpu.memory_space<hbm>> -> memref<1x64x768xf32, #tpu.memory_space<hbm>>
    %dma_start3A_424 = tpu.memref_squeeze %dma_start3A_423 : memref<1x64x768xf32, #tpu.memory_space<hbm>> -> memref<64x768xf32, #tpu.memory_space<hbm>>
    %dma_start3A_425 = arith.constant 0 : i32
    %dma_start3A_426 = tpu.memref_slice %arg4[%select_n3A, %add3A_416, %dma_start3A_425] : memref<4x4608x768xf32, #tpu.memory_space<hbm>> -> memref<1x64x768xf32, #tpu.memory_space<hbm>>
    %dma_start3A_427 = tpu.memref_squeeze %dma_start3A_426 : memref<1x64x768xf32, #tpu.memory_space<hbm>> -> memref<64x768xf32, #tpu.memory_space<hbm>>
    %dma_start3A_428 = arith.constant 0 : i32
    %dma_start3A_429 = arith.constant 0 : i32
    %dma_start3A_430 = tpu.memref_slice %arg6[%dma_start3A_417, %dma_start3A_428, %dma_start3A_429] : memref<2x64x768xf32, #tpu.memory_space<vmem>> -> memref<1x64x768xf32, #tpu.memory_space<vmem>>
    %dma_start3A_431 = tpu.memref_squeeze %dma_start3A_430 : memref<1x64x768xf32, #tpu.memory_space<vmem>> -> memref<64x768xf32, #tpu.memory_space<vmem>>
    tpu.enqueue_dma source(%dma_start3A_431 : memref<64x768xf32, #tpu.memory_space<vmem>>) target(%dma_start3A_427 : memref<64x768xf32, #tpu.memory_space<hbm>>) target_semaphore(%arg9 : memref<!tpu.dma_semaphore, #tpu.memory_space<semaphore_mem>>)
    %add3A_432 = arith.constant 384 : i32
    %add3A_433 = arith.addi %mul3A_32, %add3A_432 : i32
    %dma_wait3A_434 = arith.constant 0 : i32
    %dma_wait3A_435 = arith.constant 0 : i32
    %dma_wait3A_436 = arith.constant 0 : i32
    %dma_wait3A_437 = tpu.memref_slice %arg6[%dma_wait3A_434, %dma_wait3A_435, %dma_wait3A_436] : memref<2x64x768xf32, #tpu.memory_space<vmem>> -> memref<1x64x768xf32, #tpu.memory_space<vmem>>
    %dma_wait3A_438 = tpu.memref_squeeze %dma_wait3A_437 : memref<1x64x768xf32, #tpu.memory_space<vmem>> -> memref<64x768xf32, #tpu.memory_space<vmem>>
    %dma_wait3A_439 = arith.constant 0 : i32
    %dma_wait3A_440 = tpu.memref_slice %arg4[%select_n3A, %add3A_433, %dma_wait3A_439] : memref<4x4608x768xf32, #tpu.memory_space<hbm>> -> memref<1x64x768xf32, #tpu.memory_space<hbm>>
    %dma_wait3A_441 = tpu.memref_squeeze %dma_wait3A_440 : memref<1x64x768xf32, #tpu.memory_space<hbm>> -> memref<64x768xf32, #tpu.memory_space<hbm>>
    %dma_wait3A_442 = arith.constant 0 : i32
    %dma_wait3A_443 = tpu.memref_slice %arg4[%select_n3A, %add3A_433, %dma_wait3A_442] : memref<4x4608x768xf32, #tpu.memory_space<hbm>> -> memref<1x64x768xf32, #tpu.memory_space<hbm>>
    %dma_wait3A_444 = tpu.memref_squeeze %dma_wait3A_443 : memref<1x64x768xf32, #tpu.memory_space<hbm>> -> memref<64x768xf32, #tpu.memory_space<hbm>>
    %dma_wait3A_445 = arith.constant 0 : i32
    %dma_wait3A_446 = arith.constant 0 : i32
    %dma_wait3A_447 = tpu.memref_slice %arg6[%dma_wait3A_434, %dma_wait3A_445, %dma_wait3A_446] : memref<2x64x768xf32, #tpu.memory_space<vmem>> -> memref<1x64x768xf32, #tpu.memory_space<vmem>>
    %dma_wait3A_448 = tpu.memref_squeeze %dma_wait3A_447 : memref<1x64x768xf32, #tpu.memory_space<vmem>> -> memref<64x768xf32, #tpu.memory_space<vmem>>
    tpu.wait_dma2 semaphore(%arg9 : memref<!tpu.dma_semaphore, #tpu.memory_space<semaphore_mem>>) src(%dma_wait3A_448 : memref<64x768xf32, #tpu.memory_space<vmem>>) dst(%dma_wait3A_444 : memref<64x768xf32, #tpu.memory_space<hbm>>)
    %dma_start3A_449 = arith.constant 8 : i32
    %dma_start3A_450 = arith.constant 0 : i32
    %dma_start3A_451 = arith.constant 0 : i32
    %dma_start3A_452 = arith.constant 0 : i32
    %dma_start3A_453 = tpu.memref_slice %arg6[%dma_start3A_450, %dma_start3A_451, %dma_start3A_452] : memref<2x64x768xf32, #tpu.memory_space<vmem>> -> memref<1x64x768xf32, #tpu.memory_space<vmem>>
    %dma_start3A_454 = tpu.memref_squeeze %dma_start3A_453 : memref<1x64x768xf32, #tpu.memory_space<vmem>> -> memref<64x768xf32, #tpu.memory_space<vmem>>
    %dma_start3A_455 = arith.constant 0 : i32
    %dma_start3A_456 = tpu.memref_slice %arg5[%dma_start3A_449, %dma_start3A_455] : memref<9x64xi32, #tpu.memory_space<vmem>> -> memref<1x64xi32, #tpu.memory_space<vmem>>
    %dma_start3A_457 = tpu.memref_squeeze %dma_start3A_456 : memref<1x64xi32, #tpu.memory_space<vmem>> -> memref<64xi32, #tpu.memory_space<vmem>>
    %dma_start3A_458 = arith.constant 0 : i32
    %dma_start3A_459 = arith.constant 0 : i32
    %dma_start3A_460 = tpu.memref_slice %arg3[%dma_start3A_458, %dma_start3A_459] : memref<50265x768xf32, #tpu.memory_space<hbm>> -> memref<50265x768xf32, #tpu.memory_space<hbm>>
    tpu.enqueue_indirect_dma source(%dma_start3A_460 : memref<50265x768xf32, #tpu.memory_space<hbm>>) target(%dma_start3A_454 : memref<64x768xf32, #tpu.memory_space<vmem>>) offsets(%dma_start3A_457 : memref<64xi32, #tpu.memory_space<vmem>>) semaphore(%arg7 : memref<!tpu.dma_semaphore, #tpu.memory_space<semaphore_mem>>)
    %dma_wait3A_461 = arith.constant 7 : i32
    %dma_wait3A_462 = arith.constant 1 : i32
    %dma_wait3A_463 = arith.constant 0 : i32
    %dma_wait3A_464 = arith.constant 0 : i32
    %dma_wait3A_465 = tpu.memref_slice %arg6[%dma_wait3A_462, %dma_wait3A_463, %dma_wait3A_464] : memref<2x64x768xf32, #tpu.memory_space<vmem>> -> memref<1x64x768xf32, #tpu.memory_space<vmem>>
    %dma_wait3A_466 = tpu.memref_squeeze %dma_wait3A_465 : memref<1x64x768xf32, #tpu.memory_space<vmem>> -> memref<64x768xf32, #tpu.memory_space<vmem>>
    %dma_wait3A_467 = arith.constant 0 : i32
    %dma_wait3A_468 = tpu.memref_slice %arg5[%dma_wait3A_461, %dma_wait3A_467] : memref<9x64xi32, #tpu.memory_space<vmem>> -> memref<1x64xi32, #tpu.memory_space<vmem>>
    %dma_wait3A_469 = tpu.memref_squeeze %dma_wait3A_468 : memref<1x64xi32, #tpu.memory_space<vmem>> -> memref<64xi32, #tpu.memory_space<vmem>>
    %dma_wait3A_470 = arith.constant 0 : i32
    %dma_wait3A_471 = arith.constant 0 : i32
    %dma_wait3A_472 = tpu.memref_slice %arg3[%dma_wait3A_470, %dma_wait3A_471] : memref<50265x768xf32, #tpu.memory_space<hbm>> -> memref<50265x768xf32, #tpu.memory_space<hbm>>
    tpu.wait_indirect_dma semaphore(%arg8 : memref<!tpu.dma_semaphore, #tpu.memory_space<semaphore_mem>>) src(%dma_wait3A_472 : memref<50265x768xf32, #tpu.memory_space<hbm>>) dst(%dma_wait3A_466 : memref<64x768xf32, #tpu.memory_space<vmem>>)
    %add3A_473 = arith.constant 448 : i32
    %add3A_474 = arith.addi %mul3A_32, %add3A_473 : i32
    %dma_start3A_475 = arith.constant 1 : i32
    %dma_start3A_476 = arith.constant 0 : i32
    %dma_start3A_477 = arith.constant 0 : i32
    %dma_start3A_478 = tpu.memref_slice %arg6[%dma_start3A_475, %dma_start3A_476, %dma_start3A_477] : memref<2x64x768xf32, #tpu.memory_space<vmem>> -> memref<1x64x768xf32, #tpu.memory_space<vmem>>
    %dma_start3A_479 = tpu.memref_squeeze %dma_start3A_478 : memref<1x64x768xf32, #tpu.memory_space<vmem>> -> memref<64x768xf32, #tpu.memory_space<vmem>>
    %dma_start3A_480 = arith.constant 0 : i32
    %dma_start3A_481 = tpu.memref_slice %arg4[%select_n3A, %add3A_474, %dma_start3A_480] : memref<4x4608x768xf32, #tpu.memory_space<hbm>> -> memref<1x64x768xf32, #tpu.memory_space<hbm>>
    %dma_start3A_482 = tpu.memref_squeeze %dma_start3A_481 : memref<1x64x768xf32, #tpu.memory_space<hbm>> -> memref<64x768xf32, #tpu.memory_space<hbm>>
    %dma_start3A_483 = arith.constant 0 : i32
    %dma_start3A_484 = tpu.memref_slice %arg4[%select_n3A, %add3A_474, %dma_start3A_483] : memref<4x4608x768xf32, #tpu.memory_space<hbm>> -> memref<1x64x768xf32, #tpu.memory_space<hbm>>
    %dma_start3A_485 = tpu.memref_squeeze %dma_start3A_484 : memref<1x64x768xf32, #tpu.memory_space<hbm>> -> memref<64x768xf32, #tpu.memory_space<hbm>>
    %dma_start3A_486 = arith.constant 0 : i32
    %dma_start3A_487 = arith.constant 0 : i32
    %dma_start3A_488 = tpu.memref_slice %arg6[%dma_start3A_475, %dma_start3A_486, %dma_start3A_487] : memref<2x64x768xf32, #tpu.memory_space<vmem>> -> memref<1x64x768xf32, #tpu.memory_space<vmem>>
    %dma_start3A_489 = tpu.memref_squeeze %dma_start3A_488 : memref<1x64x768xf32, #tpu.memory_space<vmem>> -> memref<64x768xf32, #tpu.memory_space<vmem>>
    tpu.enqueue_dma source(%dma_start3A_489 : memref<64x768xf32, #tpu.memory_space<vmem>>) target(%dma_start3A_485 : memref<64x768xf32, #tpu.memory_space<hbm>>) target_semaphore(%arg10 : memref<!tpu.dma_semaphore, #tpu.memory_space<semaphore_mem>>)
    %dma_wait3A_490 = arith.constant 8 : i32
    %dma_wait3A_491 = arith.constant 0 : i32
    %dma_wait3A_492 = arith.constant 0 : i32
    %dma_wait3A_493 = arith.constant 0 : i32
    %dma_wait3A_494 = tpu.memref_slice %arg6[%dma_wait3A_491, %dma_wait3A_492, %dma_wait3A_493] : memref<2x64x768xf32, #tpu.memory_space<vmem>> -> memref<1x64x768xf32, #tpu.memory_space<vmem>>
    %dma_wait3A_495 = tpu.memref_squeeze %dma_wait3A_494 : memref<1x64x768xf32, #tpu.memory_space<vmem>> -> memref<64x768xf32, #tpu.memory_space<vmem>>
    %dma_wait3A_496 = arith.constant 0 : i32
    %dma_wait3A_497 = tpu.memref_slice %arg5[%dma_wait3A_490, %dma_wait3A_496] : memref<9x64xi32, #tpu.memory_space<vmem>> -> memref<1x64xi32, #tpu.memory_space<vmem>>
    %dma_wait3A_498 = tpu.memref_squeeze %dma_wait3A_497 : memref<1x64xi32, #tpu.memory_space<vmem>> -> memref<64xi32, #tpu.memory_space<vmem>>
    %dma_wait3A_499 = arith.constant 0 : i32
    %dma_wait3A_500 = arith.constant 0 : i32
    %dma_wait3A_501 = tpu.memref_slice %arg3[%dma_wait3A_499, %dma_wait3A_500] : memref<50265x768xf32, #tpu.memory_space<hbm>> -> memref<50265x768xf32, #tpu.memory_space<hbm>>
    tpu.wait_indirect_dma semaphore(%arg7 : memref<!tpu.dma_semaphore, #tpu.memory_space<semaphore_mem>>) src(%dma_wait3A_501 : memref<50265x768xf32, #tpu.memory_space<hbm>>) dst(%dma_wait3A_495 : memref<64x768xf32, #tpu.memory_space<vmem>>)
    %add3A_502 = arith.constant 512 : i32
    %add3A_503 = arith.addi %mul3A_32, %add3A_502 : i32
    %dma_start3A_504 = arith.constant 0 : i32
    %dma_start3A_505 = arith.constant 0 : i32
    %dma_start3A_506 = arith.constant 0 : i32
    %dma_start3A_507 = tpu.memref_slice %arg6[%dma_start3A_504, %dma_start3A_505, %dma_start3A_506] : memref<2x64x768xf32, #tpu.memory_space<vmem>> -> memref<1x64x768xf32, #tpu.memory_space<vmem>>
    %dma_start3A_508 = tpu.memref_squeeze %dma_start3A_507 : memref<1x64x768xf32, #tpu.memory_space<vmem>> -> memref<64x768xf32, #tpu.memory_space<vmem>>
    %dma_start3A_509 = arith.constant 0 : i32
    %dma_start3A_510 = tpu.memref_slice %arg4[%select_n3A, %add3A_503, %dma_start3A_509] : memref<4x4608x768xf32, #tpu.memory_space<hbm>> -> memref<1x64x768xf32, #tpu.memory_space<hbm>>
    %dma_start3A_511 = tpu.memref_squeeze %dma_start3A_510 : memref<1x64x768xf32, #tpu.memory_space<hbm>> -> memref<64x768xf32, #tpu.memory_space<hbm>>
    %dma_start3A_512 = arith.constant 0 : i32
    %dma_start3A_513 = tpu.memref_slice %arg4[%select_n3A, %add3A_503, %dma_start3A_512] : memref<4x4608x768xf32, #tpu.memory_space<hbm>> -> memref<1x64x768xf32, #tpu.memory_space<hbm>>
    %dma_start3A_514 = tpu.memref_squeeze %dma_start3A_513 : memref<1x64x768xf32, #tpu.memory_space<hbm>> -> memref<64x768xf32, #tpu.memory_space<hbm>>
    %dma_start3A_515 = arith.constant 0 : i32
    %dma_start3A_516 = arith.constant 0 : i32
    %dma_start3A_517 = tpu.memref_slice %arg6[%dma_start3A_504, %dma_start3A_515, %dma_start3A_516] : memref<2x64x768xf32, #tpu.memory_space<vmem>> -> memref<1x64x768xf32, #tpu.memory_space<vmem>>
    %dma_start3A_518 = tpu.memref_squeeze %dma_start3A_517 : memref<1x64x768xf32, #tpu.memory_space<vmem>> -> memref<64x768xf32, #tpu.memory_space<vmem>>
    tpu.enqueue_dma source(%dma_start3A_518 : memref<64x768xf32, #tpu.memory_space<vmem>>) target(%dma_start3A_514 : memref<64x768xf32, #tpu.memory_space<hbm>>) target_semaphore(%arg9 : memref<!tpu.dma_semaphore, #tpu.memory_space<semaphore_mem>>)
    %add3A_519 = arith.constant 448 : i32
    %add3A_520 = arith.addi %mul3A_32, %add3A_519 : i32
    %dma_wait3A_521 = arith.constant 1 : i32
    %dma_wait3A_522 = arith.constant 0 : i32
    %dma_wait3A_523 = arith.constant 0 : i32
    %dma_wait3A_524 = tpu.memref_slice %arg6[%dma_wait3A_521, %dma_wait3A_522, %dma_wait3A_523] : memref<2x64x768xf32, #tpu.memory_space<vmem>> -> memref<1x64x768xf32, #tpu.memory_space<vmem>>
    %dma_wait3A_525 = tpu.memref_squeeze %dma_wait3A_524 : memref<1x64x768xf32, #tpu.memory_space<vmem>> -> memref<64x768xf32, #tpu.memory_space<vmem>>
    %dma_wait3A_526 = arith.constant 0 : i32
    %dma_wait3A_527 = tpu.memref_slice %arg4[%select_n3A, %add3A_520, %dma_wait3A_526] : memref<4x4608x768xf32, #tpu.memory_space<hbm>> -> memref<1x64x768xf32, #tpu.memory_space<hbm>>
    %dma_wait3A_528 = tpu.memref_squeeze %dma_wait3A_527 : memref<1x64x768xf32, #tpu.memory_space<hbm>> -> memref<64x768xf32, #tpu.memory_space<hbm>>
    %dma_wait3A_529 = arith.constant 0 : i32
    %dma_wait3A_530 = tpu.memref_slice %arg4[%select_n3A, %add3A_520, %dma_wait3A_529] : memref<4x4608x768xf32, #tpu.memory_space<hbm>> -> memref<1x64x768xf32, #tpu.memory_space<hbm>>
    %dma_wait3A_531 = tpu.memref_squeeze %dma_wait3A_530 : memref<1x64x768xf32, #tpu.memory_space<hbm>> -> memref<64x768xf32, #tpu.memory_space<hbm>>
    %dma_wait3A_532 = arith.constant 0 : i32
    %dma_wait3A_533 = arith.constant 0 : i32
    %dma_wait3A_534 = tpu.memref_slice %arg6[%dma_wait3A_521, %dma_wait3A_532, %dma_wait3A_533] : memref<2x64x768xf32, #tpu.memory_space<vmem>> -> memref<1x64x768xf32, #tpu.memory_space<vmem>>
    %dma_wait3A_535 = tpu.memref_squeeze %dma_wait3A_534 : memref<1x64x768xf32, #tpu.memory_space<vmem>> -> memref<64x768xf32, #tpu.memory_space<vmem>>
    tpu.wait_dma2 semaphore(%arg10 : memref<!tpu.dma_semaphore, #tpu.memory_space<semaphore_mem>>) src(%dma_wait3A_535 : memref<64x768xf32, #tpu.memory_space<vmem>>) dst(%dma_wait3A_531 : memref<64x768xf32, #tpu.memory_space<hbm>>)
    %add3A_536 = arith.constant 512 : i32
    %add3A_537 = arith.addi %mul3A_32, %add3A_536 : i32
    %dma_wait3A_538 = arith.constant 0 : i32
    %dma_wait3A_539 = arith.constant 0 : i32
    %dma_wait3A_540 = arith.constant 0 : i32
    %dma_wait3A_541 = tpu.memref_slice %arg6[%dma_wait3A_538, %dma_wait3A_539, %dma_wait3A_540] : memref<2x64x768xf32, #tpu.memory_space<vmem>> -> memref<1x64x768xf32, #tpu.memory_space<vmem>>
    %dma_wait3A_542 = tpu.memref_squeeze %dma_wait3A_541 : memref<1x64x768xf32, #tpu.memory_space<vmem>> -> memref<64x768xf32, #tpu.memory_space<vmem>>
    %dma_wait3A_543 = arith.constant 0 : i32
    %dma_wait3A_544 = tpu.memref_slice %arg4[%select_n3A, %add3A_537, %dma_wait3A_543] : memref<4x4608x768xf32, #tpu.memory_space<hbm>> -> memref<1x64x768xf32, #tpu.memory_space<hbm>>
    %dma_wait3A_545 = tpu.memref_squeeze %dma_wait3A_544 : memref<1x64x768xf32, #tpu.memory_space<hbm>> -> memref<64x768xf32, #tpu.memory_space<hbm>>
    %dma_wait3A_546 = arith.constant 0 : i32
    %dma_wait3A_547 = tpu.memref_slice %arg4[%select_n3A, %add3A_537, %dma_wait3A_546] : memref<4x4608x768xf32, #tpu.memory_space<hbm>> -> memref<1x64x768xf32, #tpu.memory_space<hbm>>
    %dma_wait3A_548 = tpu.memref_squeeze %dma_wait3A_547 : memref<1x64x768xf32, #tpu.memory_space<hbm>> -> memref<64x768xf32, #tpu.memory_space<hbm>>
    %dma_wait3A_549 = arith.constant 0 : i32
    %dma_wait3A_550 = arith.constant 0 : i32
    %dma_wait3A_551 = tpu.memref_slice %arg6[%dma_wait3A_538, %dma_wait3A_549, %dma_wait3A_550] : memref<2x64x768xf32, #tpu.memory_space<vmem>> -> memref<1x64x768xf32, #tpu.memory_space<vmem>>
    %dma_wait3A_552 = tpu.memref_squeeze %dma_wait3A_551 : memref<1x64x768xf32, #tpu.memory_space<vmem>> -> memref<64x768xf32, #tpu.memory_space<vmem>>
    tpu.wait_dma2 semaphore(%arg9 : memref<!tpu.dma_semaphore, #tpu.memory_space<semaphore_mem>>) src(%dma_wait3A_552 : memref<64x768xf32, #tpu.memory_space<vmem>>) dst(%dma_wait3A_548 : memref<64x768xf32, #tpu.memory_space<hbm>>)
    return
  }
}

module attributes {stable_mosaic.version = 14 : i64} {
  func.func @_pool_tail_body(%arg0: i32, %arg1: memref<4x768x768xf32, #tpu.memory_space<vmem>>, %arg2: memref<4x32x768xf32, #tpu.memory_space<vmem>>, %arg3: memref<1x768xf32, #tpu.memory_space<vmem>>, %arg4: memref<1x768xf32, #tpu.memory_space<vmem>>, %arg5: memref<768x768xf32, #tpu.memory_space<vmem>>, %arg6: memref<1x768xf32, #tpu.memory_space<vmem>>, %arg7: memref<16x8xf32, #tpu.memory_space<vmem>>, %arg8: memref<144x768xf32, #tpu.memory_space<vmem>>) attributes {dimension_semantics = [#tpu.dimension_semantics<arbitrary>], iteration_bounds = array<i64: 6>, scalar_prefetch = 0 : i64, scratch_operands = 1 : i64, tpu.core_type = #tpu.core_type<tc>, window_params = [{transform_indices = @transform_0, window_bounds = array<i64: 4, 768, 768>}, {pipeline_mode = #tpu.pipeline_mode<synchronous>, transform_indices = @transform_1, window_bounds = array<i64: 4, 32, 768>}, {pipeline_mode = #tpu.pipeline_mode<synchronous>, transform_indices = @transform_2, window_bounds = array<i64: 1, 768>}, {pipeline_mode = #tpu.pipeline_mode<synchronous>, transform_indices = @transform_3, window_bounds = array<i64: 1, 768>}, {pipeline_mode = #tpu.pipeline_mode<synchronous>, transform_indices = @transform_4, window_bounds = array<i64: 768, 768>}, {pipeline_mode = #tpu.pipeline_mode<synchronous>, transform_indices = @transform_5, window_bounds = array<i64: 1, 768>}, {pipeline_mode = #tpu.pipeline_mode<synchronous>, transform_indices = @transform_6, window_bounds = array<i64: 16, 8>}]} {
    %get3A = arith.constant 0 : index
    %get3A_0 = arith.constant 0 : index
    %get3A_1 = arith.constant 0 : index
    %get3A_2 = vector.load %arg1[%get3A, %get3A_0, %get3A_1] : memref<4x768x768xf32, #tpu.memory_space<vmem>>, vector<4x768x768xf32>
    %reshape3A = vector.shape_cast %get3A_2 : vector<4x768x768xf32> to vector<4x24x32x768xf32>
    %get3A_3 = arith.constant 0 : index
    %get3A_4 = arith.constant 0 : index
    %get3A_5 = arith.constant 0 : index
    %get3A_6 = vector.load %arg2[%get3A_3, %get3A_4, %get3A_5] : memref<4x32x768xf32, #tpu.memory_space<vmem>>, vector<4x32x768xf32>
    %broadcast_in_dim3A = vector.shape_cast %get3A_6 : vector<4x32x768xf32> to vector<4x1x32x768xf32>
    %add3A = vector.broadcast %broadcast_in_dim3A : vector<4x1x32x768xf32> to vector<4x24x32x768xf32>
    %add3A_7 = arith.addf %reshape3A, %add3A : vector<4x24x32x768xf32>
    %reduce_sum3A = arith.constant dense<0.000000e+00> : vector<4x24x32xf32>
    %reduce_sum3A_8 = vector.multi_reduction <add>, %add3A_7, %reduce_sum3A [3] : vector<4x24x32x768xf32> to vector<4x24x32xf32>
    %broadcast_in_dim3A_9 = vector.shape_cast %reduce_sum3A_8 : vector<4x24x32xf32> to vector<4x24x32x1xf32>
    %div3A = arith.constant 7.680000e+02 : f32
    %div3A_10 = vector.broadcast %div3A : f32 to vector<4x24x32x1xf32>
    %div3A_11 = arith.divf %broadcast_in_dim3A_9, %div3A_10 : vector<4x24x32x1xf32>
    %mul3A = arith.mulf %add3A_7, %add3A_7 : vector<4x24x32x768xf32>
    %reduce_sum3A_12 = arith.constant dense<0.000000e+00> : vector<4x24x32xf32>
    %reduce_sum3A_13 = vector.multi_reduction <add>, %mul3A, %reduce_sum3A_12 [3] : vector<4x24x32x768xf32> to vector<4x24x32xf32>
    %broadcast_in_dim3A_14 = vector.shape_cast %reduce_sum3A_13 : vector<4x24x32xf32> to vector<4x24x32x1xf32>
    %div3A_15 = arith.constant 7.680000e+02 : f32
    %div3A_16 = vector.broadcast %div3A_15 : f32 to vector<4x24x32x1xf32>
    %div3A_17 = arith.divf %broadcast_in_dim3A_14, %div3A_16 : vector<4x24x32x1xf32>
    %mul3A_18 = arith.mulf %div3A_11, %div3A_11 : vector<4x24x32x1xf32>
    %sub3A = arith.subf %div3A_17, %mul3A_18 : vector<4x24x32x1xf32>
    %add3A_19 = arith.constant 9.99999974E-6 : f32
    %add3A_20 = vector.broadcast %add3A_19 : f32 to vector<4x24x32x1xf32>
    %add3A_21 = arith.addf %sub3A, %add3A_20 : vector<4x24x32x1xf32>
    %rsqrt3A = math.rsqrt %add3A_21 : vector<4x24x32x1xf32>
    %mul3A_22 = vector.broadcast %rsqrt3A : vector<4x24x32x1xf32> to vector<4x24x32x768xf32>
    %mul3A_23 = arith.mulf %add3A_7, %mul3A_22 : vector<4x24x32x768xf32>
    %reduce_sum3A_24 = arith.constant dense<0.000000e+00> : vector<24x768xf32>
    %reduce_sum3A_25 = vector.multi_reduction <add>, %mul3A_23, %reduce_sum3A_24 [0, 2] : vector<4x24x32x768xf32> to vector<24x768xf32>
    %mul3A_26 = arith.mulf %div3A_11, %rsqrt3A : vector<4x24x32x1xf32>
    %reduce_sum3A_27 = arith.constant dense<0.000000e+00> : vector<24x1xf32>
    %reduce_sum3A_28 = vector.multi_reduction <add>, %mul3A_26, %reduce_sum3A_27 [0, 2] : vector<4x24x32x1xf32> to vector<24x1xf32>
    %sub3A_29 = vector.broadcast %reduce_sum3A_28 : vector<24x1xf32> to vector<24x768xf32>
    %sub3A_30 = arith.subf %reduce_sum3A_25, %sub3A_29 : vector<24x768xf32>
    %mul3A_31 = arith.constant 7.812500e-03 : f32
    %mul3A_32 = vector.broadcast %mul3A_31 : f32 to vector<24x768xf32>
    %mul3A_33 = arith.mulf %sub3A_30, %mul3A_32 : vector<24x768xf32>
    %get3A_34 = arith.constant 0 : index
    %get3A_35 = arith.constant 0 : index
    %get3A_36 = vector.load %arg3[%get3A_34, %get3A_35] : memref<1x768xf32, #tpu.memory_space<vmem>>, vector<1x768xf32>
    %mul3A_37 = vector.broadcast %get3A_36 : vector<1x768xf32> to vector<24x768xf32>
    %mul3A_38 = arith.mulf %mul3A_33, %mul3A_37 : vector<24x768xf32>
    %get3A_39 = arith.constant 0 : index
    %get3A_40 = arith.constant 0 : index
    %get3A_41 = vector.load %arg4[%get3A_39, %get3A_40] : memref<1x768xf32, #tpu.memory_space<vmem>>, vector<1x768xf32>
    %add3A_42 = vector.broadcast %get3A_41 : vector<1x768xf32> to vector<24x768xf32>
    %add3A_43 = arith.addf %mul3A_38, %add3A_42 : vector<24x768xf32>
    %mul3A_44 = arith.constant 24 : i32
    %mul3A_45 = arith.muli %arg0, %mul3A_44 : i32
    %swap3A = arith.index_cast %mul3A_45 : i32 to index
    %swap3A_46 = arith.constant 0 : index
    %swap3A_47 = vector.load %arg8[%swap3A, %swap3A_46] : memref<144x768xf32, #tpu.memory_space<vmem>>, vector<24x768xf32>
    tpu.vector_store %arg8[%swap3A, %swap3A_46], %add3A_43 {strides = array<i32>} : memref<144x768xf32, #tpu.memory_space<vmem>>, vector<24x768xf32>,
    %eq3A = arith.constant 5 : i32
    %eq3A_48 = arith.cmpi eq, %arg0, %eq3A : i32
    %convert_element_type3A = arith.extui %eq3A_48 : i1 to i32
    %cond3A = arith.constant 0 : i32
    %cond3A_49 = arith.cmpi ne, %convert_element_type3A, %cond3A : i32
    scf.if %cond3A_49 {
      %get3A_50 = arith.constant 0 : index
      %get3A_51 = arith.constant 0 : index
      %get3A_52 = vector.load %arg8[%get3A_50, %get3A_51] : memref<144x768xf32, #tpu.memory_space<vmem>>, vector<144x768xf32>
      %slice3A = vector.extract_strided_slice %get3A_52 {offsets = [0, 0], sizes = [16, 768], strides = [1, 1]} : vector<144x768xf32> to vector<16x768xf32>
      %slice3A_53 = vector.extract_strided_slice %get3A_52 {offsets = [16, 0], sizes = [128, 768], strides = [1, 1]} : vector<144x768xf32> to vector<128x768xf32>
      %reshape3A_54 = vector.shape_cast %slice3A_53 : vector<128x768xf32> to vector<16x8x768xf32>
      %get3A_55 = arith.constant 0 : index
      %get3A_56 = arith.constant 0 : index
      %get3A_57 = vector.load %arg5[%get3A_55, %get3A_56] : memref<768x768xf32, #tpu.memory_space<vmem>>, vector<768x768xf32>
      %dot_general3A = arith.constant dense<0.000000e+00> : vector<16x768xf32>
      %dot_general3A_58 = tpu.matmul %slice3A, %get3A_57, %dot_general3A {dimension_numbers = #tpu.dot_dimension_numbers<[1], [1], [0], [0], [0, 0, 1, 0], [], []>, precision = #tpu.contract_precision<fp32>, transpose_lhs_hint = false} : vector<16x768xf32>, vector<768x768xf32>, vector<16x768xf32> -> vector<16x768xf32>
      %get3A_59 = arith.constant 0 : index
      %get3A_60 = arith.constant 0 : index
      %get3A_61 = vector.load %arg6[%get3A_59, %get3A_60] : memref<1x768xf32, #tpu.memory_space<vmem>>, vector<1x768xf32>
      %add3A_62 = vector.broadcast %get3A_61 : vector<1x768xf32> to vector<16x768xf32>
      %add3A_63 = arith.addf %dot_general3A_58, %add3A_62 : vector<16x768xf32>
      %broadcast_in_dim3A_64 = vector.shape_cast %add3A_63 : vector<16x768xf32> to vector<16x1x768xf32>
      %sub3A_65 = vector.broadcast %broadcast_in_dim3A_64 : vector<16x1x768xf32> to vector<16x8x768xf32>
      %sub3A_66 = arith.subf %reshape3A_54, %sub3A_65 : vector<16x8x768xf32>
      %mul3A_67 = arith.mulf %sub3A_66, %sub3A_66 : vector<16x8x768xf32>
      %reduce_sum3A_68 = arith.constant dense<0.000000e+00> : vector<16x8xf32>
      %reduce_sum3A_69 = vector.multi_reduction <add>, %mul3A_67, %reduce_sum3A_68 [2] : vector<16x8x768xf32> to vector<16x8xf32>
      %sqrt3A = math.sqrt %reduce_sum3A_69 : vector<16x8xf32>
      %neg3A = arith.constant 0.000000e+00 : f32
      %neg3A_70 = vector.broadcast %neg3A : f32 to vector<16x8xf32>
      %neg3A_71 = arith.subf %neg3A_70, %sqrt3A : vector<16x8xf32>
      %reduce_max3A = arith.constant dense<0xFF800000> : vector<16xf32>
      %reduce_max3A_72 = vector.multi_reduction <maximumf>, %neg3A_71, %reduce_max3A [1] : vector<16x8xf32> to vector<16xf32>
      %broadcast_in_dim3A_73 = vector.shape_cast %reduce_max3A_72 : vector<16xf32> to vector<16x1xf32>
      %sub3A_74 = vector.broadcast %broadcast_in_dim3A_73 : vector<16x1xf32> to vector<16x8xf32>
      %sub3A_75 = arith.subf %neg3A_71, %sub3A_74 : vector<16x8xf32>
      %exp3A = math.exp %sub3A_75 : vector<16x8xf32>
      %reduce_sum3A_76 = arith.constant dense<0.000000e+00> : vector<16xf32>
      %reduce_sum3A_77 = vector.multi_reduction <add>, %exp3A, %reduce_sum3A_76 [1] : vector<16x8xf32> to vector<16xf32>
      %broadcast_in_dim3A_78 = vector.shape_cast %reduce_sum3A_77 : vector<16xf32> to vector<16x1xf32>
      %div3A_79 = vector.broadcast %broadcast_in_dim3A_78 : vector<16x1xf32> to vector<16x8xf32>
      %div3A_80 = arith.divf %exp3A, %div3A_79 : vector<16x8xf32>
      %swap3A_81 = arith.constant 0 : index
      %swap3A_82 = arith.constant 0 : index
      %swap3A_83 = vector.load %arg7[%swap3A_81, %swap3A_82] : memref<16x8xf32, #tpu.memory_space<vmem>>, vector<16x8xf32>
      tpu.vector_store %arg7[%swap3A_81, %swap3A_82], %div3A_80 {strides = array<i32>} : memref<16x8xf32, #tpu.memory_space<vmem>>, vector<16x8xf32>,
    } else {
    }
    return
  }
  func.func @transform_0(%arg0: i32) -> (i32, i32, i32) {
    %c0_i32 = arith.constant 0 : i32
    %c0_i32_0 = arith.constant 0 : i32
    %c0_i32_1 = arith.constant 0 : i32
    return %c0_i32, %arg0, %c0_i32_0 : i32, i32, i32
  }
  func.func @transform_1(%arg0: i32) -> (i32, i32, i32) {
    %c0_i32 = arith.constant 0 : i32
    %c0_i32_0 = arith.constant 0 : i32
    %c0_i32_1 = arith.constant 0 : i32
    %c0_i32_2 = arith.constant 0 : i32
    return %c0_i32, %c0_i32_0, %c0_i32_1 : i32, i32, i32
  }
  func.func @transform_2(%arg0: i32) -> (i32, i32) {
    %c0_i32 = arith.constant 0 : i32
    %c0_i32_0 = arith.constant 0 : i32
    %c0_i32_1 = arith.constant 0 : i32
    return %c0_i32, %c0_i32_0 : i32, i32
  }
  func.func @transform_3(%arg0: i32) -> (i32, i32) {
    %c0_i32 = arith.constant 0 : i32
    %c0_i32_0 = arith.constant 0 : i32
    %c0_i32_1 = arith.constant 0 : i32
    return %c0_i32, %c0_i32_0 : i32, i32
  }
  func.func @transform_4(%arg0: i32) -> (i32, i32) {
    %c0_i32 = arith.constant 0 : i32
    %c0_i32_0 = arith.constant 0 : i32
    %c0_i32_1 = arith.constant 0 : i32
    return %c0_i32, %c0_i32_0 : i32, i32
  }
  func.func @transform_5(%arg0: i32) -> (i32, i32) {
    %c0_i32 = arith.constant 0 : i32
    %c0_i32_0 = arith.constant 0 : i32
    %c0_i32_1 = arith.constant 0 : i32
    return %c0_i32, %c0_i32_0 : i32, i32
  }
  func.func @transform_6(%arg0: i32) -> (i32, i32) {
    %c0_i32 = arith.constant 0 : i32
    %c0_i32_0 = arith.constant 0 : i32
    %c0_i32_1 = arith.constant 0 : i32
    return %c0_i32, %c0_i32_0 : i32, i32
  }
}

</mosaic_0001>

<sc_bundles>
// kernel: kernel.4.cloned.1.call-start
scs
__scs_entry_jumppad:
0x0: {  	(pc) =	sbr.rel $0x88, $3  }
0x1: {  	(tag) =	ssettag $0x0;
	lr =	simm.s32 $0x1  }
0x2: {  	[smem:$0x3F98] =	sst lr;
	_ =	strace $0xD0000000  }
0x3: {  	_ = 	snop  }
0x4: {  	_ = 	snop  }
0x5: {  	_ = 	snop  }
0x6: {  	_ = 	snop  }
0x7: {  	_ = 	snop  }
__scs_overlays_trampoline_lowered:
0x8: {  	[smem:$0x3FA7] =	sst s0  }
0x9: {  	[smem:$0x3FA8] =	sst s1  }
0xa: {  	[smem:$0x3FA9] =	sst s2  }
0xb: {  	[smem:$0x3FAA] =	sst s3  }
0xc: {  	[smem:$0x3FAB] =	sst s4  }
0xd: {  	[smem:$0x3FAC] =	sst s5  }
0xe: {  	[smem:$0x3FAD] =	sst s6  }
0xf: {  	[smem:$0x3FAE] =	sst s7  }
0x10: {  	[smem:$0x3FAF] =	sst s8  }
0x11: {  	[smem:$0x3FB0] =	sst s9;
	s0 =	simm.s32 @!p0 $0x0  }
0x12: {  	s1 =	sld [smem:$0x3F96];
	s0 =	simm.s32 @p0 $0x1  }
0x13: {  	[smem:$0x3FB1] =	sst s0;
	s0 =	simm.s32 @!p1 $0x0  }
0x14: {  	s2 =	sld [smem:$0x3F95];
	s0 =	simm.s32 @p1 $0x1  }
0x15: {  	[smem:$0x3FB2] =	sst s0;
	s0 =	simm.s32 @!p2 $0x0  }
0x16: {  	s3 =	sld [smem:$0x3FDB];
	s0 =	simm.s32 @p2 $0x1  }
0x17: {  	s4 =	simm.s32 $0x1BF5;
	[smem:$0x3FB4] =	sst s0  }
0x18: {  	s0 =	sld [smem:$0x3F97];
	_ =	swait.ge [sflag:s4], $0x0  }
0x19: {  	s7 =	sld [smem:$0x3F98]  }
0x1a: {  	s8 =	sadd.s32 $0xFFFFE003, lr  }
0x1b: {  	s9 =	sadd.s32 $0xFFFFFEF7, lr;
	s5 =	simm.s32 $0xFFFFFFFF;
	p2 =	slt.u32 s8, $0xFFFFF086  }
0x1c: {  	p1 =	slt.u32 s9, $0xF7A;
	s5 =	simm.s32 @!p2 $0x0  }
0x1d: {  	s5 =	simm.s32 @p1 $0x1;
	p0 =	seq.s32 s7, s2  }
0x1e: {  	s7 =	smul.u32 @!p0 $0xF7A, s2;
	p2 =	seq.s32 @!p0 s5, $0x0  }
0x1f: {  	s9 =	smul.u32 $0xF7A, s1;
	s8 =	simm.s32 @!p0 $0x1BF5;
	p2 =	por !p2, p0  }
0x20: {  	[sflag:s8] =	ssyncset.s32 @!p0 $0xFFFFF086;
	s6 =	sadd.s32 @!p0 s3, s7;
	s7 =	simm.s32 @!p0 $0x108  }
0x21: {  	s3 =	sadd.s32 s3, s9;
	s6 =	sadd.s32 @!p0 $0x88, s6;
	s7 =	simm.s32 @p2 $0x1082  }
0x22: {  	[simem:s7], [sflag:s8] =	dma.local @!p0 [hbm:s6], $0xF7A  }
0x23: {  	s9 =	sor.u32 $0xD0000000, s2;
	s6 =	simm.s32 $0x108;
	_ =	swait.ge @!p0 [sflag:s8], $0x0  }
0x24: {  	s3 =	sadd.s32 $0x88, s3;
	s6 =	simm.s32 @!p1 $0x1082;
	[sflag:s4] =	ssyncset.s32 $0xFFFFF086  }
0x25: {  	[simem:s6], [sflag:s4] =	dma.local [hbm:s3], $0xF7A  }
0x26: {  	[smem:$0x3F98] =	sst s1;
	(tag) =	ssettag s2;
	_ =	strace s9  }
0x27: {  	s1 =	sld [smem:$0x3FA8]  }
0x28: {  	s2 =	sld [smem:$0x3FA9]  }
0x29: {  	s4 =	sld [smem:$0x3FAB]  }
0x2a: {  	p0 =	seq.s32 s5, $0x0;
	s5 =	sld [smem:$0x3FAC]  }
0x2b: {  	s6 =	sld [smem:$0x3FAD]  }
0x2c: {  	s7 =	sld [smem:$0x3FAE]  }
0x2d: {  	s3 =	simm.s32 $0x108;
	s8 =	sld [smem:$0x3FAF]  }
0x2e: {  	s3 =	simm.s32 @!p0 $0x1082;
	s9 =	sld [smem:$0x3FB0]  }
0x2f: {  	lr =	sadd.s32 s0, s3;
	s0 =	sld [smem:$0x3FA7]  }
0x30: {  	s3 =	sld [smem:$0x3FAA]  }
0x31: {  	[smem:$0x3FB3] =	sst s10  }
0x32: {  	s10 =	sld [smem:$0x3FB1];
	_ =	sdelay $0x3  }
0x33: {  	p0 =	seq.s32 s10, $0x1;
	s10 =	sld [smem:$0x3FB3];
	_ =	sdelay $0x3  }
0x34: {  	[smem:$0x3FB3] =	sst s10  }
0x35: {  	s10 =	sld [smem:$0x3FB2];
	_ =	sdelay $0x3  }
0x36: {  	p1 =	seq.s32 s10, $0x1;
	s10 =	sld [smem:$0x3FB3];
	_ =	sdelay $0x3  }
0x37: {  	[smem:$0x3FB3] =	sst s10  }
0x38: {  	s10 =	sld [smem:$0x3FB4]  }
0x39: {  	_ = 	snop;
	(pc) =	sbr.ind lr, $3  }
0x3a: {  	_ = 	snop  }
0x3b: {  	_ = 	snop  }
0x3c: {  	p2 =	seq.s32 s10, $0x1;
	s10 =	sld [smem:$0x3FB3]  }
0x3d: {  	_ =	shalt  }
0x3e: {  	_ =	shalt  }
0x3f: {  	_ =	shalt  }
0x40: {  	_ =	shalt  }
0x41: {  	_ =	shalt  }
0x42: {  	_ =	shalt  }
0x43: {  	_ =	shalt  }
0x44: {  	_ =	shalt  }
0x45: {  	_ =	shalt  }
0x46: {  	_ =	shalt  }
0x47: {  	_ =	shalt  }
0x48: {  	_ =	shalt  }
0x49: {  	_ =	shalt  }
0x4a: {  	_ =	shalt  }
0x4b: {  	_ =	shalt  }
0x4c: {  	_ =	shalt  }
0x4d: {  	_ =	shalt  }
0x4e: {  	_ =	shalt  }
0x4f: {  	_ =	shalt  }
0x50: {  	_ =	shalt  }
0x51: {  	_ =	shalt  }
0x52: {  	_ =	shalt  }
0x53: {  	_ =	shalt  }
0x54: {  	_ =	shalt  }
0x55: {  	_ =	shalt  }
0x56: {  	_ =	shalt  }
0x57: {  	_ =	shalt  }
0x58: {  	_ =	shalt  }
0x59: {  	_ =	shalt  }
0x5a: {  	_ =	shalt  }
0x5b: {  	_ =	shalt  }
0x5c: {  	_ =	shalt  }
0x5d: {  	_ =	shalt  }
0x5e: {  	_ =	shalt  }
0x5f: {  	_ =	shalt  }
0x60: {  	_ =	shalt  }
0x61: {  	_ =	shalt  }
0x62: {  	_ =	shalt  }
0x63: {  	_ =	shalt  }
0x64: {  	_ =	shalt  }
0x65: {  	_ =	shalt  }
0x66: {  	_ =	shalt  }
0x67: {  	_ =	shalt  }
0x68: {  	_ =	shalt  }
0x69: {  	_ =	shalt  }
0x6a: {  	_ =	shalt  }
0x6b: {  	_ =	shalt  }
0x6c: {  	_ =	shalt  }
0x6d: {  	_ =	shalt  }
0x6e: {  	_ =	shalt  }
0x6f: {  	_ =	shalt  }
0x70: {  	_ =	shalt  }
0x71: {  	_ =	shalt  }
0x72: {  	_ =	shalt  }
0x73: {  	_ =	shalt  }
0x74: {  	_ =	shalt  }
0x75: {  	_ =	shalt  }
0x76: {  	_ =	shalt  }
0x77: {  	_ =	shalt  }
0x78: {  	_ =	shalt  }
0x79: {  	_ =	shalt  }
0x7a: {  	_ =	shalt  }
0x7b: {  	_ =	shalt  }
0x7c: {  	_ =	shalt  }
0x7d: {  	_ =	shalt  }
0x7e: {  	_ =	shalt  }
0x7f: {  	_ =	shalt  }
0x80: {  	_ =	shalt  }
0x81: {  	_ =	shalt  }
0x82: {  	_ =	shalt  }
0x83: {  	_ =	shalt  }
0x84: {  	_ =	shalt  }
0x85: {  	_ =	shalt  }
0x86: {  	_ =	shalt  }
0x87: {  	_ =	shalt  }
.Lfunc_end0:
.L_simem_size_0:
called_computation_lowered:
.L_overlay_start_0:
0x88: {  	s2 =	sld [smem:$0x3FD9]  }
0x89: {  	s3 =	sld [smem:$0x3FFE];
	_ =	sdelay $0x1  }
0x8a: {  	s1 =	srdreg.scid  }
0x8b: {  	s0 =	sand.u32 $0x1, s1  }
0x8c: {  	s17 =	sshll.u32 s0, $0xA;
	s2 =	sadd.s32 s3, s2  }
0x8d: {  	s2 =	sadd.s32 s2, s17  }
0x8e: {  	[smem:$0x3FBF] =	sst s2  }
0x8f: {  	_ = 	snop  }
0x90: {  	s2 =	sld [smem:$0x3FC7];
	(tm) =	ssettm $0x1  }
0x91: {  	s18 =	sld [smem:$0x3FFB];
	_ =	sdelay $0x3  }
0x92: {  	_ =	strace s18  }
0x93: {  	s3 =	sld [smem:$0x3FFC];
	_ =	sdelay $0x3  }
0x94: {  	_ =	strace s3  }
0x95: {  	s3 =	sld [smem:$0x3FFD];
	_ =	sdelay $0x3  }
0x96: {  	_ =	strace s3  }
0x97: {  	_ =	strace $0x8FFFFFFF  }
0x98: {  	s19 =	sld [smem:$0x3FDB];
	_ =	sdelay $0x1  }
0x99: {  	s4 =	simm.s32 $_scs_section_size  }
0x9a: {  	s5 =	simm.s32 $_size__tile_overlayer_lowered;
	s6 =	simm.s32 $_tile_overlayer_lowered  }
0x9b: {  	s22 =	simm.s32 $0x1BFF;
	s21 =	sshll.u32 s6, $0x1;
	s3 =	sadd.s32 s4, s19  }
0x9c: {  	s7 =	simm.s32 $0x0;
	s20 =	sshll.u32 s5, $0x1;
	s5 =	sadd.s32 s21, s3  }
0x9d: {  	[timem:s7], [sflag:s22] =	dma.local [hbm:s5], s20  }
0x9e: {  	_ =	swait.ge [sflag:s22], s20  }
0x9f: {  	s4 =	ssub.s32 $0x0, s20;
	[sflag:s22] =	ssyncset.done $0x0  }
0xa0: {  	[sflag:s22] =	ssyncadd.s32 s4;
	_ =	sdelay $0x1  }
0xa1: {  	s23 =	simm.s32 $0x1B8B  }
0xa2: {  	_ =	swait.ge [sflag:s23], $0x1  }
0xa3: {  	[sflag:s23] =	ssyncset.done $0x0  }
0xa4: {  	s25 =	simm.s32 $0x1B8E;
	s24 =	sld [smem:$0x3FFE];
	[sflag:s23] =	ssyncadd.s32 $0xFFFFFFFF  }
0xa5: {  	s26 =	simm.s32 $execute0_lowered;
	[smem:$0x3FD2] =	sst s25  }
0xa6: {  	s5 =	sshll.u32 s26, $0x1;
	_ =	strace $0x80000046;
	[dreg:$0x1] =	wrdreg $0xFFFFFFFF  }
0xa7: {  	s28 =	simm.s32 $_size_execute0_lowered;
	s3 =	sadd.s32 s3, s5;
	[dreg:$0x0] =	wrdreg $0x0  }
0xa8: {  	s5 =	sshll.u32 s28, $0x1;
	[dreg:$0x2] =	wrdreg s3  }
0xa9: {  	[dreg:$0x3] =	wrdreg s5  }
0xaa: {  	[dreg:$0x4] =	wrdreg $0xC0  }
0xab: {  	_ =	task [dreg:s7], $0x5FFFF  }
0xac: {  	[dreg:$0x1] =	wrdreg $0xFFFFFFFF  }
0xad: {  	[dreg:$0x0] =	wrdreg $0x60  }
0xae: {  	[dreg:$0x2] =	wrdreg s24  }
0xaf: {  	[dreg:$0x3] =	wrdreg s2  }
0xb0: {  	[dreg:$0x4] =	wrdreg $0x9  }
0xb1: {  	_ =	task.clear_ibuf [dreg:s7], $0x5FFFF;
	_ =	strace $0x90000046  }
0xb2: {  	s29 =	simm.s32 $0x9;
	_ =	strace $0x80000048  }
0xb3: {  	_ =	swait.ge [sflag:s29], $0x1  }
0xb4: {  	[sflag:s29] =	ssyncadd.s32 $0xFFFFFFFF  }
0xb5: {  	_ =	strace $0x90000048  }
0xb6: {  	_ =	sfence  }
0xb7: {  	s30 =	sld [smem:$0x0];
	_ =	sdelay $0x2  }
0xb8: {  	s31 =	sshll.u32 s1, $0xD;
	s1 =	sshrl.u32 s1, $0x2  }
0xb9: {  	s3 =	sand.u32 $0x4000, s31;
	s1 =	sadd.s32 s1, s30  }
0xba: {  	s0 =	sor.u32 s3, s0;
	s1 =	sshll.u32 s1, $0x11  }
0xbb: {  	s0 =	sor.u32 s1, s0  }
0xbc: {  	s0 =	sadd.s32 $0x8F2B, s0  }
0xbd: {  	[sflag:s0] =	ssyncadd.remote.s32 $0x1  }
0xbe: {  	_ =	sfence.sel $0xFFFF  }
0xbf: {  	[dreg:$0x0] =	wrdreg $0xFFFFFFFF;
	(pc) =	sbr.abs _section_cstart, $3  }
0xc0: {  	[dreg:$0x1] =	wrdreg $0xFFFFFFFF  }
0xc1: {  	_ =	task.clear_ibuf [dreg:s7], $0x2FFFF;
	_ =	strace $0x9FFFFFFF  }
0xc2: {  	(tm) =	ssettm $0x7FFFFFFF  }
0xc3: {  	_ =	shalt  }
tec
execute0_lowered:
.L_overlay_start_1:
0x0: {  	(tag) =	ssettag $0x1  }
0x1: {  	s0 =	srdreg.scid  }
0x2: {  	s2 =	stileid.u32;
	s4 =	rddreg [dreg:$0x0]  }
0x3: {  	s3 =	simm.s32 $0x0;
	s6 =	simm.s32 $0x1;
	s0 =	sand.u32 $0x1, s0  }
0x4: {  	s10 =	simm.s32 $0x3;
	s5 =	sand.u32 $0x7, s2;
	s1 =	sshll.u32 s0, $0x4  }
0x5: {  	[smem:$0x7FF] =	sst s3;
	s12 =	sadd.s32 $0x2A00, s4;
	s1 =	sor.u32 s2, s1  }
0x6: {  	p1 =	sne.s32 s5, $0x0;
	s8 =	smul.u32 $0x240, s5;
	p0 =	seq.s32 s1, $0x0  }
0x7: {  	s0 =	ssub.s32 $0x2, s0;
	s5 =	smul.u32 $0x6C000, s5;
	p0 =	por !p1, !p0  }
0x8: {  	s2 =	rddreg [dreg:$0x1];
	_ =	strace $0x80000047;
	p0 =	por !p0, !p0  }
0x9: {  	s7 =	sshrl.u32 s1, $0x3;
	s11 =	sshrl.u32 s8, $0x3;
	s6 =	simm.s32 @!p0 $0x0  }
0xa: {  	s1 =	sshll.u32 s1, $0x8;
	s6 =	ssub.s32 s7, s6;
	s7 =	smul.u32 $0x1800, s11  }
0xb: {  	s13 =	sshrl.u32 s0, $0x1;
	s1 =	sadd.s32 s1, s4;
	s6 =	smul.u32 $0x360000, s6  }
0xc: {  	s0 =	ssub.s32 s0, s13;
	s4 =	simm.s32 $0x1;
	s1 =	sadd.s32 $0xA00, s1  }
0xd: {  	[dreg:$0x3] =	wrdreg s1;
	s14 =	sadd.s32 s5, s6;
	s6 =	sadd.s32 s6, s7  }
0xe: {  	s5 =	sadd.s32 $0x100, s2;
	s1 =	sshrl.u32 s14, $0x3;
	s7 =	sadd.s32 $0xC000, s6  }
0xf: {  	s9 =	sadd.s32 $0x18000, s6;
	s18 =	sadd.s32 $0x24000, s6;
	s20 =	sadd.s32 $0x30000, s6  }
0x10: {  	s21 =	sadd.s32 $0x3C000, s6;
	s25 =	sadd.s32 $0x48000, s6;
	s28 =	sadd.s32 $0x54000, s6  }
0x11: {  	s6 =	sadd.s32 $0x60000, s6;
	s1 =	sadd.s32 s12, s1;
	s7 =	sshrl.u32 s7, $0x3  }
0x12: {  	s16 =	sshrl.u32 s9, $0x3;
	[dreg:$0x4] =	wrdreg s1;
	s15 =	sadd.s32 s12, s7  }
0x13: {  	s19 =	sshrl.u32 s18, $0x3;
	s17 =	sadd.s32 s12, s16;
	[dreg:$0x5] =	wrdreg s15  }
0x14: {  	s23 =	sshrl.u32 s21, $0x3;
	s1 =	sadd.s32 s12, s19;
	[dreg:$0x6] =	wrdreg s17  }
0x15: {  	s30 =	sshrl.u32 s6, $0x3;
	s24 =	sadd.s32 s12, s23;
	[dreg:$0x7] =	wrdreg s1  }
0x16: {  	s7 =	sshrl.u32 s20, $0x3;
	s31 =	sadd.s32 s12, s30;
	[dreg:$0x9] =	wrdreg s24  }
0x17: {  	s26 =	sshrl.u32 s25, $0x3;
	s22 =	sadd.s32 s12, s7;
	[dreg:$0xc] =	wrdreg s31  }
0x18: {  	v2 =	vlaneseq.u32;
	s1 =	sadd.s32 s12, s26;
	s7 =	sshrl.u32 s28, $0x3;
	[dreg:$0x8] =	wrdreg s22  }
0x19: {  	vm0 =	vmmov $0xffff;
	v1 =	vshrl.u32 v2, $0x3;
	s6 =	sadd.s32 $0x200, s2;
	[dreg:$0xa] =	wrdreg s1;
	s29 =	sadd.s32 s12, s7  }
0x1a: {  	v0 =	vand.u32 $0x7, v2;
	v2 =	vor.u32 $0x8, v2;
	v1 =	vmul.u32 $0x8, v1;
	s7 =	smax.u32 s0, $0x1;
	s12 =	simm.s32 $0x2;
	[dreg:$0xb] =	wrdreg s29  }
.LBB2_1:
0x1b: {  	s13 =	rddreg [dreg:$0x3];
	s20 =	simm.s32 $0x5  }
0x1c: {  	[tilespmem:s3], [sflag:$0x5] =	stream.linear.gather [hbm4b:s13+s3], $0x480, $0x38;
	[tilespmem:$0x18800] =	vst v63  }
0x1d: {  	_ =	swait.ge [sflag:s20], $0x480  }
0x1e: {  	[sflag:s20] =	ssyncset.done $0x0  }
0x1f: {  	[sflag:s20] =	ssyncadd.s32 $0xFFFFFB80  }
0x20: {  	v3 =	vld [tilespmem:$0x0];
	_ =	sdelay $0x4  }
0x21: {  	v4 =	vshrl.u32 v3, $0x3  }
0x22: {  	v4 =	vmul.u32 $0x30, v4  }
0x23: {  	v3 =	vand.u32 $0x7, v3  }
0x24: {  	v3 =	vor.u32 v3, v4  }
0x25: {  	v4 =	vperm.xlane v3, v0;
	_ =	sdelay $0x1  }
0x26: {  	v4 =	vadd.s32 v1, v4;
	_ =	sdelay $0x3  }
0x27: {  	s0 =	simm.s32 $0x800;
	v3 =	vperm.xlane v3, v2  }
0x28: {  	[tilespmem:s0], [sflag:$0x1] =	stream.indirect_vreg.gather [hbm4b:s2+s3], $0x80, v4, vm0, $0xb8;
	[tilespmem:$0x18800] =	vst v63  }
0x29: {  	s21 =	simm.s32 $0x1000;
	v3 =	vadd.s32 v1, v3  }
0x2a: {  	[tilespmem:s21], [sflag:$0x1] =	stream.indirect_vreg.gather [hbm4b:s5+s3], $0x80, v4, vm0, $0xb8;
	[tilespmem:$0x18800] =	vst v63  }
0x2b: {  	s22 =	simm.s32 $0x1800  }
0x2c: {  	[tilespmem:s22], [sflag:$0x1] =	stream.indirect_vreg.gather [hbm4b:s6+s3], $0x80, v4, vm0, $0xb8;
	[tilespmem:$0x18800] =	vst v63  }
0x2d: {  	s23 =	simm.s32 $0x2000  }
0x2e: {  	[tilespmem:s23], [sflag:$0x1] =	stream.indirect_vreg.gather [hbm4b:s2+s3], $0x80, v3, vm0, $0xb8;
	[tilespmem:$0x18800] =	vst v63  }
0x2f: {  	s24 =	simm.s32 $0x2800  }
0x30: {  	[tilespmem:s24], [sflag:$0x1] =	stream.indirect_vreg.gather [hbm4b:s5+s3], $0x80, v3, vm0, $0xb8;
	[tilespmem:$0x18800] =	vst v63  }
0x31: {  	s25 =	simm.s32 $0x3000  }
0x32: {  	[tilespmem:s25], [sflag:$0x1] =	stream.indirect_vreg.gather [hbm4b:s6+s3], $0x80, v3, vm0, $0xb8;
	[tilespmem:$0x18800] =	vst v63  }
0x33: {  	v3 =	vld [tilespmem:$0x10];
	_ =	sdelay $0x4  }
0x34: {  	v29 =	vshrl.u32 v3, $0x3  }
0x35: {  	v4 =	vmul.u32 $0x30, v29  }
0x36: {  	v3 =	vand.u32 $0x7, v3  }
0x37: {  	v3 =	vor.u32 v3, v4  }
0x38: {  	v4 =	vperm.xlane v3, v0;
	_ =	sdelay $0x1  }
0x39: {  	v4 =	vadd.s32 v1, v4;
	_ =	sdelay $0x3  }
0x3a: {  	s26 =	simm.s32 $0x3800;
	v3 =	vperm.xlane v3, v2  }
0x3b: {  	[tilespmem:s26], [sflag:$0x1] =	stream.indirect_vreg.gather [hbm4b:s2+s3], $0x80, v4, vm0, $0xb8;
	[tilespmem:$0x18800] =	vst v63  }
0x3c: {  	s28 =	simm.s32 $0x4000;
	v3 =	vadd.s32 v1, v3  }
0x3d: {  	[tilespmem:s28], [sflag:$0x1] =	stream.indirect_vreg.gather [hbm4b:s5+s3], $0x80, v4, vm0, $0xb8;
	[tilespmem:$0x18800] =	vst v63  }
0x3e: {  	s29 =	simm.s32 $0x4800  }
0x3f: {  	[tilespmem:s29], [sflag:$0x1] =	stream.indirect_vreg.gather [hbm4b:s6+s3], $0x80, v4, vm0, $0xb8;
	[tilespmem:$0x18800] =	vst v63  }
0x40: {  	s30 =	simm.s32 $0x5000  }
0x41: {  	[tilespmem:s30], [sflag:$0x1] =	stream.indirect_vreg.gather [hbm4b:s2+s3], $0x80, v3, vm0, $0xb8;
	[tilespmem:$0x18800] =	vst v63  }
0x42: {  	s31 =	simm.s32 $0x5800  }
0x43: {  	[tilespmem:s31], [sflag:$0x1] =	stream.indirect_vreg.gather [hbm4b:s5+s3], $0x80, v3, vm0, $0xb8;
	[tilespmem:$0x18800] =	vst v63  }
0x44: {  	s1 =	simm.s32 $0x6000  }
0x45: {  	[tilespmem:s1], [sflag:$0x1] =	stream.indirect_vreg.gather [hbm4b:s6+s3], $0x80, v3, vm0, $0xb8;
	[tilespmem:$0x18800] =	vst v63  }
0x46: {  	v3 =	vld [tilespmem:$0x20];
	_ =	sdelay $0x4  }
0x47: {  	v30 =	vshrl.u32 v3, $0x3  }
0x48: {  	v4 =	vmul.u32 $0x30, v30  }
0x49: {  	v3 =	vand.u32 $0x7, v3  }
0x4a: {  	v3 =	vor.u32 v3, v4  }
0x4b: {  	v4 =	vperm.xlane v3, v0;
	_ =	sdelay $0x1  }
0x4c: {  	v4 =	vadd.s32 v1, v4;
	_ =	sdelay $0x3  }
0x4d: {  	s8 =	simm.s32 $0x6800;
	v3 =	vperm.xlane v3, v2  }
0x4e: {  	[tilespmem:s8], [sflag:$0x1] =	stream.indirect_vreg.gather [hbm4b:s2+s3], $0x80, v4, vm0, $0xb8;
	[tilespmem:$0x18800] =	vst v63  }
0x4f: {  	s9 =	simm.s32 $0x7000;
	v3 =	vadd.s32 v1, v3  }
0x50: {  	[tilespmem:s9], [sflag:$0x1] =	stream.indirect_vreg.gather [hbm4b:s5+s3], $0x80, v4, vm0, $0xb8;
	[tilespmem:$0x18800] =	vst v63  }
0x51: {  	s11 =	simm.s32 $0x7800  }
0x52: {  	[tilespmem:s11], [sflag:$0x1] =	stream.indirect_vreg.gather [hbm4b:s6+s3], $0x80, v4, vm0, $0xb8;
	[tilespmem:$0x18800] =	vst v63  }
0x53: {  	s13 =	simm.s32 $0x8000  }
0x54: {  	[tilespmem:s13], [sflag:$0x1] =	stream.indirect_vreg.gather [hbm4b:s2+s3], $0x80, v3, vm0, $0xb8;
	[tilespmem:$0x18800] =	vst v63  }
0x55: {  	s14 =	simm.s32 $0x8800  }
0x56: {  	[tilespmem:s14], [sflag:$0x1] =	stream.indirect_vreg.gather [hbm4b:s5+s3], $0x80, v3, vm0, $0xb8;
	[tilespmem:$0x18800] =	vst v63  }
0x57: {  	s17 =	simm.s32 $0x9000  }
0x58: {  	[tilespmem:s17], [sflag:$0x1] =	stream.indirect_vreg.gather [hbm4b:s6+s3], $0x80, v3, vm0, $0xb8;
	[tilespmem:$0x18800] =	vst v63  }
0x59: {  	v3 =	vld [tilespmem:$0x30];
	_ =	sdelay $0x4  }
0x5a: {  	v31 =	vshrl.u32 v3, $0x3  }
0x5b: {  	v4 =	vmul.u32 $0x30, v31  }
0x5c: {  	v3 =	vand.u32 $0x7, v3  }
0x5d: {  	v3 =	vor.u32 v3, v4  }
0x5e: {  	v4 =	vperm.xlane v3, v0;
	_ =	sdelay $0x1  }
0x5f: {  	v4 =	vadd.s32 v1, v4;
	_ =	sdelay $0x3  }
0x60: {  	s18 =	simm.s32 $0x9800;
	v3 =	vperm.xlane v3, v2  }
0x61: {  	[tilespmem:s18], [sflag:$0x1] =	stream.indirect_vreg.gather [hbm4b:s2+s3], $0x80, v4, vm0, $0xb8;
	[tilespmem:$0x18800] =	vst v63  }
0x62: {  	s21 =	simm.s32 $0xA000;
	v3 =	vadd.s32 v1, v3  }
0x63: {  	[tilespmem:s21], [sflag:$0x1] =	stream.indirect_vreg.gather [hbm4b:s5+s3], $0x80, v4, vm0, $0xb8;
	[tilespmem:$0x18800] =	vst v63  }
0x64: {  	s22 =	simm.s32 $0xA800  }
0x65: {  	[tilespmem:s22], [sflag:$0x1] =	stream.indirect_vreg.gather [hbm4b:s6+s3], $0x80, v4, vm0, $0xb8;
	[tilespmem:$0x18800] =	vst v63  }
0x66: {  	s25 =	simm.s32 $0xB000  }
0x67: {  	[tilespmem:s25], [sflag:$0x1] =	stream.indirect_vreg.gather [hbm4b:s2+s3], $0x80, v3, vm0, $0xb8;
	[tilespmem:$0x18800] =	vst v63  }
0x68: {  	s26 =	simm.s32 $0xB800  }
0x69: {  	[tilespmem:s26], [sflag:$0x1] =	stream.indirect_vreg.gather [hbm4b:s5+s3], $0x80, v3, vm0, $0xb8;
	[tilespmem:$0x18800] =	vst v63  }
0x6a: {  	s28 =	simm.s32 $0xC000  }
0x6b: {  	[tilespmem:s28], [sflag:$0x1] =	stream.indirect_vreg.gather [hbm4b:s6+s3], $0x80, v3, vm0, $0xb8;
	[tilespmem:$0x18800] =	vst v63  }
0x6c: {  	v3 =	vld [tilespmem:$0x80];
	_ =	sdelay $0x4  }
0x6d: {  	v32 =	vshrl.u32 v3, $0x3  }
0x6e: {  	v4 =	vmul.u32 $0x30, v32  }
0x6f: {  	v3 =	vand.u32 $0x7, v3  }
0x70: {  	v3 =	vor.u32 v3, v4  }
0x71: {  	v4 =	vperm.xlane v3, v0;
	_ =	sdelay $0x1  }
0x72: {  	v4 =	vadd.s32 v1, v4;
	_ =	sdelay $0x3  }
0x73: {  	s29 =	simm.s32 $0xC800;
	v3 =	vperm.xlane v3, v2  }
0x74: {  	[tilespmem:s29], [sflag:$0x2] =	stream.indirect_vreg.gather [hbm4b:s2+s3], $0x80, v4, vm0, $0xb8;
	[tilespmem:$0x18800] =	vst v63  }
0x75: {  	s30 =	simm.s32 $0xD000;
	v3 =	vadd.s32 v1, v3  }
0x76: {  	[tilespmem:s30], [sflag:$0x2] =	stream.indirect_vreg.gather [hbm4b:s5+s3], $0x80, v4, vm0, $0xb8;
	[tilespmem:$0x18800] =	vst v63  }
0x77: {  	s31 =	simm.s32 $0xD800  }
0x78: {  	[tilespmem:s31], [sflag:$0x2] =	stream.indirect_vreg.gather [hbm4b:s6+s3], $0x80, v4, vm0, $0xb8;
	[tilespmem:$0x18800] =	vst v63  }
0x79: {  	s1 =	simm.s32 $0xE000  }
0x7a: {  	[tilespmem:s1], [sflag:$0x2] =	stream.indirect_vreg.gather [hbm4b:s2+s3], $0x80, v3, vm0, $0xb8;
	[tilespmem:$0x18800] =	vst v63  }
0x7b: {  	s8 =	simm.s32 $0xE800  }
0x7c: {  	[tilespmem:s8], [sflag:$0x2] =	stream.indirect_vreg.gather [hbm4b:s5+s3], $0x80, v3, vm0, $0xb8;
	[tilespmem:$0x18800] =	vst v63  }
0x7d: {  	s9 =	simm.s32 $0xF000  }
0x7e: {  	[tilespmem:s9], [sflag:$0x2] =	stream.indirect_vreg.gather [hbm4b:s6+s3], $0x80, v3, vm0, $0xb8;
	[tilespmem:$0x18800] =	vst v63  }
0x7f: {  	v3 =	vld [tilespmem:$0x90];
	_ =	sdelay $0x4  }
0x80: {  	v33 =	vshrl.u32 v3, $0x3  }
0x81: {  	v4 =	vmul.u32 $0x30, v33  }
0x82: {  	v3 =	vand.u32 $0x7, v3  }
0x83: {  	v3 =	vor.u32 v3, v4  }
0x84: {  	v4 =	vperm.xlane v3, v0;
	_ =	sdelay $0x1  }
0x85: {  	v4 =	vadd.s32 v1, v4;
	_ =	sdelay $0x3  }
0x86: {  	s11 =	simm.s32 $0xF800;
	v3 =	vperm.xlane v3, v2  }
0x87: {  	[tilespmem:s11], [sflag:$0x2] =	stream.indirect_vreg.gather [hbm4b:s2+s3], $0x80, v4, vm0, $0xb8;
	[tilespmem:$0x18800] =	vst v63  }
0x88: {  	s13 =	simm.s32 $0x10000;
	v3 =	vadd.s32 v1, v3  }
0x89: {  	[tilespmem:s13], [sflag:$0x2] =	stream.indirect_vreg.gather [hbm4b:s5+s3], $0x80, v4, vm0, $0xb8;
	[tilespmem:$0x18800] =	vst v63  }
0x8a: {  	s14 =	simm.s32 $0x10800  }
0x8b: {  	[tilespmem:s14], [sflag:$0x2] =	stream.indirect_vreg.gather [hbm4b:s6+s3], $0x80, v4, vm0, $0xb8;
	[tilespmem:$0x18800] =	vst v63  }
0x8c: {  	s17 =	simm.s32 $0x11000  }
0x8d: {  	[tilespmem:s17], [sflag:$0x2] =	stream.indirect_vreg.gather [hbm4b:s2+s3], $0x80, v3, vm0, $0xb8;
	[tilespmem:$0x18800] =	vst v63  }
0x8e: {  	s18 =	simm.s32 $0x11800  }
0x8f: {  	[tilespmem:s18], [sflag:$0x2] =	stream.indirect_vreg.gather [hbm4b:s5+s3], $0x80, v3, vm0, $0xb8;
	[tilespmem:$0x18800] =	vst v63  }
0x90: {  	s21 =	simm.s32 $0x12000  }
0x91: {  	[tilespmem:s21], [sflag:$0x2] =	stream.indirect_vreg.gather [hbm4b:s6+s3], $0x80, v3, vm0, $0xb8;
	[tilespmem:$0x18800] =	vst v63  }
0x92: {  	v3 =	vld [tilespmem:$0xA0];
	_ =	sdelay $0x4  }
0x93: {  	v34 =	vshrl.u32 v3, $0x3  }
0x94: {  	v4 =	vmul.u32 $0x30, v34  }
0x95: {  	v3 =	vand.u32 $0x7, v3  }
0x96: {  	v3 =	vor.u32 v3, v4  }
0x97: {  	v4 =	vperm.xlane v3, v0;
	_ =	sdelay $0x1  }
0x98: {  	v4 =	vadd.s32 v1, v4;
	_ =	sdelay $0x3  }
0x99: {  	s22 =	simm.s32 $0x12800;
	v3 =	vperm.xlane v3, v2  }
0x9a: {  	[tilespmem:s22], [sflag:$0x2] =	stream.indirect_vreg.gather [hbm4b:s2+s3], $0x80, v4, vm0, $0xb8;
	[tilespmem:$0x18800] =	vst v63  }
0x9b: {  	s25 =	simm.s32 $0x13000;
	v3 =	vadd.s32 v1, v3  }
0x9c: {  	[tilespmem:s25], [sflag:$0x2] =	stream.indirect_vreg.gather [hbm4b:s5+s3], $0x80, v4, vm0, $0xb8;
	[tilespmem:$0x18800] =	vst v63  }
0x9d: {  	s26 =	simm.s32 $0x13800  }
0x9e: {  	[tilespmem:s26], [sflag:$0x2] =	stream.indirect_vreg.gather [hbm4b:s6+s3], $0x80, v4, vm0, $0xb8;
	[tilespmem:$0x18800] =	vst v63  }
0x9f: {  	s29 =	simm.s32 $0x14000  }
0xa0: {  	[tilespmem:s29], [sflag:$0x2] =	stream.indirect_vreg.gather [hbm4b:s2+s3], $0x80, v3, vm0, $0xb8;
	[tilespmem:$0x18800] =	vst v63  }
0xa1: {  	s30 =	simm.s32 $0x14800  }
0xa2: {  	[tilespmem:s30], [sflag:$0x2] =	stream.indirect_vreg.gather [hbm4b:s5+s3], $0x80, v3, vm0, $0xb8;
	[tilespmem:$0x18800] =	vst v63  }
0xa3: {  	s31 =	simm.s32 $0x15000  }
0xa4: {  	[tilespmem:s31], [sflag:$0x2] =	stream.indirect_vreg.gather [hbm4b:s6+s3], $0x80, v3, vm0, $0xb8;
	[tilespmem:$0x18800] =	vst v63  }
0xa5: {  	v3 =	vld [tilespmem:$0xB0];
	_ =	sdelay $0x4  }
0xa6: {  	v35 =	vshrl.u32 v3, $0x3  }
0xa7: {  	v4 =	vmul.u32 $0x30, v35  }
0xa8: {  	v3 =	vand.u32 $0x7, v3  }
0xa9: {  	v3 =	vor.u32 v3, v4  }
0xaa: {  	v4 =	vperm.xlane v3, v0;
	_ =	sdelay $0x1  }
0xab: {  	v4 =	vadd.s32 v1, v4;
	_ =	sdelay $0x3  }
0xac: {  	s8 =	simm.s32 $0x15800;
	v3 =	vperm.xlane v3, v2  }
0xad: {  	[tilespmem:s8], [sflag:$0x2] =	stream.indirect_vreg.gather [hbm4b:s2+s3], $0x80, v4, vm0, $0xb8;
	[tilespmem:$0x18800] =	vst v63  }
0xae: {  	s13 =	simm.s32 $0x16000;
	v3 =	vadd.s32 v1, v3  }
0xaf: {  	[tilespmem:s13], [sflag:$0x2] =	stream.indirect_vreg.gather [hbm4b:s5+s3], $0x80, v4, vm0, $0xb8;
	[tilespmem:$0x18800] =	vst v63  }
0xb0: {  	s14 =	simm.s32 $0x16800  }
0xb1: {  	[tilespmem:s14], [sflag:$0x2] =	stream.indirect_vreg.gather [hbm4b:s6+s3], $0x80, v4, vm0, $0xb8;
	[tilespmem:$0x18800] =	vst v63  }
0xb2: {  	s17 =	simm.s32 $0x17000  }
0xb3: {  	[tilespmem:s17], [sflag:$0x2] =	stream.indirect_vreg.gather [hbm4b:s2+s3], $0x80, v3, vm0, $0xb8;
	[tilespmem:$0x18800] =	vst v63  }
0xb4: {  	s18 =	simm.s32 $0x17800  }
0xb5: {  	[tilespmem:s18], [sflag:$0x2] =	stream.indirect_vreg.gather [hbm4b:s5+s3], $0x80, v3, vm0, $0xb8;
	[tilespmem:$0x18800] =	vst v63  }
0xb6: {  	s21 =	simm.s32 $0x18000  }
0xb7: {  	[tilespmem:s21], [sflag:$0x2] =	stream.indirect_vreg.gather [hbm4b:s6+s3], $0x80, v3, vm0, $0xb8;
	[tilespmem:$0x18800] =	vst v63  }
0xb8: {  	_ =	swait.ge [sflag:s4], $0xC000  }
0xb9: {  	[sflag:s4] =	ssyncset.done $0x0  }
0xba: {  	s25 =	simm.s32 $0x800;
	s22 =	rddreg [dreg:$0x4];
	[sflag:s4] =	ssyncadd.s32 $0xFFFF4000  }
0xbb: {  	[hbm4b:s22+s3] =	stream.linear.scatter [tilespmem:s25], [sflag:$0x3], $0xC000, $0x38;
	[tilespmem:$0x18800] =	vst v63  }
0xbc: {  	_ =	swait.ge [sflag:s10], $0xC000  }
0xbd: {  	[sflag:s10] =	ssyncset.done $0x0  }
0xbe: {  	[sflag:s10] =	ssyncadd.s32 $0xFFFF4000  }
0xbf: {  	v3 =	vld [tilespmem:$0x100];
	_ =	sdelay $0x4  }
0xc0: {  	v36 =	vshrl.u32 v3, $0x3  }
0xc1: {  	v4 =	vmul.u32 $0x30, v36  }
0xc2: {  	v3 =	vand.u32 $0x7, v3  }
0xc3: {  	v3 =	vor.u32 v3, v4  }
0xc4: {  	v4 =	vperm.xlane v3, v0;
	_ =	sdelay $0x1  }
0xc5: {  	v4 =	vadd.s32 v1, v4;
	_ =	sdelay $0x3  }
0xc6: {  	v3 =	vperm.xlane v3, v2  }
0xc7: {  	[tilespmem:s25], [sflag:$0x1] =	stream.indirect_vreg.gather [hbm4b:s2+s3], $0x80, v4, vm0, $0xb8;
	[tilespmem:$0x18800] =	vst v63  }
0xc8: {  	s26 =	simm.s32 $0x1000;
	v3 =	vadd.s32 v1, v3  }
0xc9: {  	[tilespmem:s26], [sflag:$0x1] =	stream.indirect_vreg.gather [hbm4b:s5+s3], $0x80, v4, vm0, $0xb8;
	[tilespmem:$0x18800] =	vst v63  }
0xca: {  	s29 =	simm.s32 $0x1800  }
0xcb: {  	[tilespmem:s29], [sflag:$0x1] =	stream.indirect_vreg.gather [hbm4b:s6+s3], $0x80, v4, vm0, $0xb8;
	[tilespmem:$0x18800] =	vst v63  }
0xcc: {  	s8 =	simm.s32 $0x2000  }
0xcd: {  	[tilespmem:s8], [sflag:$0x1] =	stream.indirect_vreg.gather [hbm4b:s2+s3], $0x80, v3, vm0, $0xb8;
	[tilespmem:$0x18800] =	vst v63  }
0xce: {  	s14 =	simm.s32 $0x2800  }
0xcf: {  	[tilespmem:s14], [sflag:$0x1] =	stream.indirect_vreg.gather [hbm4b:s5+s3], $0x80, v3, vm0, $0xb8;
	[tilespmem:$0x18800] =	vst v63  }
0xd0: {  	s15 =	simm.s32 $0x3000  }
0xd1: {  	[tilespmem:s15], [sflag:$0x1] =	stream.indirect_vreg.gather [hbm4b:s6+s3], $0x80, v3, vm0, $0xb8;
	[tilespmem:$0x18800] =	vst v63  }
0xd2: {  	v3 =	vld [tilespmem:$0x110];
	_ =	sdelay $0x4  }
0xd3: {  	v37 =	vshrl.u32 v3, $0x3  }
0xd4: {  	v4 =	vmul.u32 $0x30, v37  }
0xd5: {  	v3 =	vand.u32 $0x7, v3  }
0xd6: {  	v3 =	vor.u32 v3, v4  }
0xd7: {  	v4 =	vperm.xlane v3, v0;
	_ =	sdelay $0x1  }
0xd8: {  	v4 =	vadd.s32 v1, v4;
	_ =	sdelay $0x3  }
0xd9: {  	s16 =	simm.s32 $0x3800;
	v3 =	vperm.xlane v3, v2  }
0xda: {  	[tilespmem:s16], [sflag:$0x1] =	stream.indirect_vreg.gather [hbm4b:s2+s3], $0x80, v4, vm0, $0xb8;
	[tilespmem:$0x18800] =	vst v63  }
0xdb: {  	s15 =	simm.s32 $0x4000;
	v3 =	vadd.s32 v1, v3  }
0xdc: {  	[tilespmem:s15], [sflag:$0x1] =	stream.indirect_vreg.gather [hbm4b:s5+s3], $0x80, v4, vm0, $0xb8;
	[tilespmem:$0x18800] =	vst v63  }
0xdd: {  	s16 =	simm.s32 $0x4800  }
0xde: {  	[tilespmem:s16], [sflag:$0x1] =	stream.indirect_vreg.gather [hbm4b:s6+s3], $0x80, v4, vm0, $0xb8;
	[tilespmem:$0x18800] =	vst v63  }
0xdf: {  	s17 =	simm.s32 $0x5000  }
0xe0: {  	[tilespmem:s17], [sflag:$0x1] =	stream.indirect_vreg.gather [hbm4b:s2+s3], $0x80, v3, vm0, $0xb8;
	[tilespmem:$0x18800] =	vst v63  }
0xe1: {  	s18 =	simm.s32 $0x5800  }
0xe2: {  	[tilespmem:s18], [sflag:$0x1] =	stream.indirect_vreg.gather [hbm4b:s5+s3], $0x80, v3, vm0, $0xb8;
	[tilespmem:$0x18800] =	vst v63  }
0xe3: {  	s19 =	simm.s32 $0x6000  }
0xe4: {  	[tilespmem:s19], [sflag:$0x1] =	stream.indirect_vreg.gather [hbm4b:s6+s3], $0x80, v3, vm0, $0xb8;
	[tilespmem:$0x18800] =	vst v63  }
0xe5: {  	v3 =	vld [tilespmem:$0x120];
	_ =	sdelay $0x4  }
0xe6: {  	v38 =	vshrl.u32 v3, $0x3  }
0xe7: {  	v4 =	vmul.u32 $0x30, v38  }
0xe8: {  	v3 =	vand.u32 $0x7, v3  }
0xe9: {  	v3 =	vor.u32 v3, v4  }
0xea: {  	v4 =	vperm.xlane v3, v0;
	_ =	sdelay $0x1  }
0xeb: {  	v4 =	vadd.s32 v1, v4;
	_ =	sdelay $0x3  }
0xec: {  	s20 =	simm.s32 $0x6800;
	v3 =	vperm.xlane v3, v2  }
0xed: {  	[tilespmem:s20], [sflag:$0x1] =	stream.indirect_vreg.gather [hbm4b:s2+s3], $0x80, v4, vm0, $0xb8;
	[tilespmem:$0x18800] =	vst v63  }
0xee: {  	s19 =	simm.s32 $0x7000;
	v3 =	vadd.s32 v1, v3  }
0xef: {  	[tilespmem:s19], [sflag:$0x1] =	stream.indirect_vreg.gather [hbm4b:s5+s3], $0x80, v4, vm0, $0xb8;
	[tilespmem:$0x18800] =	vst v63  }
0xf0: {  	s20 =	simm.s32 $0x7800  }
0xf1: {  	[tilespmem:s20], [sflag:$0x1] =	stream.indirect_vreg.gather [hbm4b:s6+s3], $0x80, v4, vm0, $0xb8;
	[tilespmem:$0x18800] =	vst v63  }
0xf2: {  	s21 =	simm.s32 $0x8000  }
0xf3: {  	[tilespmem:s21], [sflag:$0x1] =	stream.indirect_vreg.gather [hbm4b:s2+s3], $0x80, v3, vm0, $0xb8;
	[tilespmem:$0x18800] =	vst v63  }
0xf4: {  	s22 =	simm.s32 $0x8800  }
0xf5: {  	[tilespmem:s22], [sflag:$0x1] =	stream.indirect_vreg.gather [hbm4b:s5+s3], $0x80, v3, vm0, $0xb8;
	[tilespmem:$0x18800] =	vst v63  }
0xf6: {  	s23 =	simm.s32 $0x9000  }
0xf7: {  	[tilespmem:s23], [sflag:$0x1] =	stream.indirect_vreg.gather [hbm4b:s6+s3], $0x80, v3, vm0, $0xb8;
	[tilespmem:$0x18800] =	vst v63  }
0xf8: {  	v3 =	vld [tilespmem:$0x130];
	_ =	sdelay $0x4  }
0xf9: {  	v39 =	vshrl.u32 v3, $0x3  }
0xfa: {  	v4 =	vmul.u32 $0x30, v39  }
0xfb: {  	v3 =	vand.u32 $0x7, v3  }
0xfc: {  	v3 =	vor.u32 v3, v4  }
0xfd: {  	v4 =	vperm.xlane v3, v0;
	_ =	sdelay $0x1  }
0xfe: {  	v4 =	vadd.s32 v1, v4;
	_ =	sdelay $0x3  }
0xff: {  	s24 =	simm.s32 $0x9800;
	v3 =	vperm.xlane v3, v2  }
0x100: {  	[tilespmem:s24], [sflag:$0x1] =	stream.indirect_vreg.gather [hbm4b:s2+s3], $0x80, v4, vm0, $0xb8;
	[tilespmem:$0x18800] =	vst v63  }
0x101: {  	s23 =	simm.s32 $0xA000;
	v3 =	vadd.s32 v1, v3  }
0x102: {  	[tilespmem:s23], [sflag:$0x1] =	stream.indirect_vreg.gather [hbm4b:s5+s3], $0x80, v4, vm0, $0xb8;
	[tilespmem:$0x18800] =	vst v63  }
0x103: {  	s24 =	simm.s32 $0xA800  }
0x104: {  	[tilespmem:s24], [sflag:$0x1] =	stream.indirect_vreg.gather [hbm4b:s6+s3], $0x80, v4, vm0, $0xb8;
	[tilespmem:$0x18800] =	vst v63  }
0x105: {  	s25 =	simm.s32 $0xB000  }
0x106: {  	[tilespmem:s25], [sflag:$0x1] =	stream.indirect_vreg.gather [hbm4b:s2+s3], $0x80, v3, vm0, $0xb8;
	[tilespmem:$0x18800] =	vst v63  }
0x107: {  	s26 =	simm.s32 $0xB800  }
0x108: {  	[tilespmem:s26], [sflag:$0x1] =	stream.indirect_vreg.gather [hbm4b:s5+s3], $0x80, v3, vm0, $0xb8;
	[tilespmem:$0x18800] =	vst v63  }
0x109: {  	s28 =	simm.s32 $0xC000  }
0x10a: {  	[tilespmem:s28], [sflag:$0x1] =	stream.indirect_vreg.gather [hbm4b:s6+s3], $0x80, v3, vm0, $0xb8;
	[tilespmem:$0x18800] =	vst v63  }
0x10b: {  	_ =	swait.ge [sflag:s12], $0xC000  }
0x10c: {  	s0 =	simm.s32 $0x4;
	[sflag:s12] =	ssyncset.done $0x0  }
0x10d: {  	s31 =	simm.s32 $0xC800;
	s30 =	rddreg [dreg:$0x5];
	[sflag:s12] =	ssyncadd.s32 $0xFFFF4000  }
0x10e: {  	[hbm4b:s30+s3] =	stream.linear.scatter [tilespmem:s31], [sflag:$0x4], $0xC000, $0x38;
	[tilespmem:$0x18800] =	vst v63  }
0x10f: {  	_ =	swait.ge [sflag:s0], $0xC000  }
0x110: {  	[sflag:s0] =	ssyncset.done $0x0  }
0x111: {  	[sflag:s0] =	ssyncadd.s32 $0xFFFF4000  }
0x112: {  	v3 =	vld [tilespmem:$0x180];
	_ =	sdelay $0x4  }
0x113: {  	v40 =	vshrl.u32 v3, $0x3  }
0x114: {  	v4 =	vmul.u32 $0x30, v40  }
0x115: {  	v3 =	vand.u32 $0x7, v3  }
0x116: {  	v3 =	vor.u32 v3, v4  }
0x117: {  	v4 =	vperm.xlane v3, v0;
	_ =	sdelay $0x1  }
0x118: {  	v4 =	vadd.s32 v1, v4;
	_ =	sdelay $0x3  }
0x119: {  	v3 =	vperm.xlane v3, v2  }
0x11a: {  	[tilespmem:s31], [sflag:$0x2] =	stream.indirect_vreg.gather [hbm4b:s2+s3], $0x80, v4, vm0, $0xb8;
	[tilespmem:$0x18800] =	vst v63  }
0x11b: {  	s28 =	simm.s32 $0xD000;
	v3 =	vadd.s32 v1, v3  }
0x11c: {  	[tilespmem:s28], [sflag:$0x2] =	stream.indirect_vreg.gather [hbm4b:s5+s3], $0x80, v4, vm0, $0xb8;
	[tilespmem:$0x18800] =	vst v63  }
0x11d: {  	s29 =	simm.s32 $0xD800  }
0x11e: {  	[tilespmem:s29], [sflag:$0x2] =	stream.indirect_vreg.gather [hbm4b:s6+s3], $0x80, v4, vm0, $0xb8;
	[tilespmem:$0x18800] =	vst v63  }
0x11f: {  	s30 =	simm.s32 $0xE000  }
0x120: {  	[tilespmem:s30], [sflag:$0x2] =	stream.indirect_vreg.gather [hbm4b:s2+s3], $0x80, v3, vm0, $0xb8;
	[tilespmem:$0x18800] =	vst v63  }
0x121: {  	s31 =	simm.s32 $0xE800  }
0x122: {  	[tilespmem:s31], [sflag:$0x2] =	stream.indirect_vreg.gather [hbm4b:s5+s3], $0x80, v3, vm0, $0xb8;
	[tilespmem:$0x18800] =	vst v63  }
0x123: {  	s1 =	simm.s32 $0xF000  }
0x124: {  	[tilespmem:s1], [sflag:$0x2] =	stream.indirect_vreg.gather [hbm4b:s6+s3], $0x80, v3, vm0, $0xb8;
	[tilespmem:$0x18800] =	vst v63  }
0x125: {  	v3 =	vld [tilespmem:$0x190];
	_ =	sdelay $0x4  }
0x126: {  	v41 =	vshrl.u32 v3, $0x3  }
0x127: {  	v4 =	vmul.u32 $0x30, v41  }
0x128: {  	v3 =	vand.u32 $0x7, v3  }
0x129: {  	v3 =	vor.u32 v3, v4  }
0x12a: {  	v4 =	vperm.xlane v3, v0;
	_ =	sdelay $0x1  }
0x12b: {  	v4 =	vadd.s32 v1, v4;
	_ =	sdelay $0x3  }
0x12c: {  	s9 =	simm.s32 $0xF800;
	v3 =	vperm.xlane v3, v2  }
0x12d: {  	[tilespmem:s9], [sflag:$0x2] =	stream.indirect_vreg.gather [hbm4b:s2+s3], $0x80, v4, vm0, $0xb8;
	[tilespmem:$0x18800] =	vst v63  }
0x12e: {  	s13 =	simm.s32 $0x10000;
	v3 =	vadd.s32 v1, v3  }
0x12f: {  	[tilespmem:s13], [sflag:$0x2] =	stream.indirect_vreg.gather [hbm4b:s5+s3], $0x80, v4, vm0, $0xb8;
	[tilespmem:$0x18800] =	vst v63  }
0x130: {  	s11 =	simm.s32 $0x10800  }
0x131: {  	[tilespmem:s11], [sflag:$0x2] =	stream.indirect_vreg.gather [hbm4b:s6+s3], $0x80, v4, vm0, $0xb8;
	[tilespmem:$0x18800] =	vst v63  }
0x132: {  	s1 =	simm.s32 $0x11000  }
0x133: {  	[tilespmem:s1], [sflag:$0x2] =	stream.indirect_vreg.gather [hbm4b:s2+s3], $0x80, v3, vm0, $0xb8;
	[tilespmem:$0x18800] =	vst v63  }
0x134: {  	s9 =	simm.s32 $0x11800  }
0x135: {  	[tilespmem:s9], [sflag:$0x2] =	stream.indirect_vreg.gather [hbm4b:s5+s3], $0x80, v3, vm0, $0xb8;
	[tilespmem:$0x18800] =	vst v63  }
0x136: {  	s13 =	simm.s32 $0x12000  }
0x137: {  	[tilespmem:s13], [sflag:$0x2] =	stream.indirect_vreg.gather [hbm4b:s6+s3], $0x80, v3, vm0, $0xb8;
	[tilespmem:$0x18800] =	vst v63  }
0x138: {  	v3 =	vld [tilespmem:$0x1A0];
	_ =	sdelay $0x4  }
0x139: {  	v42 =	vshrl.u32 v3, $0x3  }
0x13a: {  	v4 =	vmul.u32 $0x30, v42  }
0x13b: {  	v3 =	vand.u32 $0x7, v3  }
0x13c: {  	v3 =	vor.u32 v3, v4  }
0x13d: {  	v4 =	vperm.xlane v3, v0;
	_ =	sdelay $0x1  }
0x13e: {  	v4 =	vadd.s32 v1, v4;
	_ =	sdelay $0x3  }
0x13f: {  	s11 =	simm.s32 $0x12800;
	v3 =	vperm.xlane v3, v2  }
0x140: {  	[tilespmem:s11], [sflag:$0x2] =	stream.indirect_vreg.gather [hbm4b:s2+s3], $0x80, v4, vm0, $0xb8;
	[tilespmem:$0x18800] =	vst v63  }
0x141: {  	s13 =	simm.s32 $0x13000;
	v3 =	vadd.s32 v1, v3  }
0x142: {  	[tilespmem:s13], [sflag:$0x2] =	stream.indirect_vreg.gather [hbm4b:s5+s3], $0x80, v4, vm0, $0xb8;
	[tilespmem:$0x18800] =	vst v63  }
0x143: {  	s9 =	simm.s32 $0x13800  }
0x144: {  	[tilespmem:s9], [sflag:$0x2] =	stream.indirect_vreg.gather [hbm4b:s6+s3], $0x80, v4, vm0, $0xb8;
	[tilespmem:$0x18800] =	vst v63  }
0x145: {  	s13 =	simm.s32 $0x14000  }
0x146: {  	[tilespmem:s13], [sflag:$0x2] =	stream.indirect_vreg.gather [hbm4b:s2+s3], $0x80, v3, vm0, $0xb8;
	[tilespmem:$0x18800] =	vst v63  }
0x147: {  	s9 =	simm.s32 $0x14800  }
0x148: {  	[tilespmem:s9], [sflag:$0x2] =	stream.indirect_vreg.gather [hbm4b:s5+s3], $0x80, v3, vm0, $0xb8;
	[tilespmem:$0x18800] =	vst v63  }
0x149: {  	s13 =	simm.s32 $0x15000  }
0x14a: {  	[tilespmem:s13], [sflag:$0x2] =	stream.indirect_vreg.gather [hbm4b:s6+s3], $0x80, v3, vm0, $0xb8;
	[tilespmem:$0x18800] =	vst v63  }
0x14b: {  	v3 =	vld [tilespmem:$0x1B0];
	_ =	sdelay $0x4  }
0x14c: {  	v43 =	vshrl.u32 v3, $0x3  }
0x14d: {  	v4 =	vmul.u32 $0x30, v43  }
0x14e: {  	v3 =	vand.u32 $0x7, v3  }
0x14f: {  	v3 =	vor.u32 v3, v4  }
0x150: {  	v4 =	vperm.xlane v3, v0;
	_ =	sdelay $0x1  }
0x151: {  	v4 =	vadd.s32 v1, v4;
	_ =	sdelay $0x3  }
0x152: {  	s11 =	simm.s32 $0x15800;
	v3 =	vperm.xlane v3, v2  }
0x153: {  	[tilespmem:s11], [sflag:$0x2] =	stream.indirect_vreg.gather [hbm4b:s2+s3], $0x80, v4, vm0, $0xb8;
	[tilespmem:$0x18800] =	vst v63  }
0x154: {  	s13 =	simm.s32 $0x16000;
	v3 =	vadd.s32 v1, v3  }
0x155: {  	[tilespmem:s13], [sflag:$0x2] =	stream.indirect_vreg.gather [hbm4b:s5+s3], $0x80, v4, vm0, $0xb8;
	[tilespmem:$0x18800] =	vst v63  }
0x156: {  	s9 =	simm.s32 $0x16800  }
0x157: {  	[tilespmem:s9], [sflag:$0x2] =	stream.indirect_vreg.gather [hbm4b:s6+s3], $0x80, v4, vm0, $0xb8;
	[tilespmem:$0x18800] =	vst v63  }
0x158: {  	s13 =	simm.s32 $0x17000  }
0x159: {  	[tilespmem:s13], [sflag:$0x2] =	stream.indirect_vreg.gather [hbm4b:s2+s3], $0x80, v3, vm0, $0xb8;
	[tilespmem:$0x18800] =	vst v63  }
0x15a: {  	s9 =	simm.s32 $0x17800  }
0x15b: {  	[tilespmem:s9], [sflag:$0x2] =	stream.indirect_vreg.gather [hbm4b:s5+s3], $0x80, v3, vm0, $0xb8;
	[tilespmem:$0x18800] =	vst v63  }
0x15c: {  	s13 =	simm.s32 $0x18000  }
0x15d: {  	[tilespmem:s13], [sflag:$0x2] =	stream.indirect_vreg.gather [hbm4b:s6+s3], $0x80, v3, vm0, $0xb8;
	[tilespmem:$0x18800] =	vst v63  }
0x15e: {  	_ =	swait.ge [sflag:s4], $0xC000  }
0x15f: {  	[sflag:s4] =	ssyncset.done $0x0  }
0x160: {  	s9 =	simm.s32 $0x800;
	s11 =	rddreg [dreg:$0x6];
	[sflag:s4] =	ssyncadd.s32 $0xFFFF4000  }
0x161: {  	[hbm4b:s11+s3] =	stream.linear.scatter [tilespmem:s9], [sflag:$0x3], $0xC000, $0x38;
	[tilespmem:$0x18800] =	vst v63  }
0x162: {  	_ =	swait.ge [sflag:s10], $0xC000  }
0x163: {  	[sflag:s10] =	ssyncset.done $0x0  }
0x164: {  	[sflag:s10] =	ssyncadd.s32 $0xFFFF4000  }
0x165: {  	v3 =	vld [tilespmem:$0x200];
	_ =	sdelay $0x4  }
0x166: {  	v44 =	vshrl.u32 v3, $0x3  }
0x167: {  	v4 =	vmul.u32 $0x30, v44  }
0x168: {  	v3 =	vand.u32 $0x7, v3  }
0x169: {  	v3 =	vor.u32 v3, v4  }
0x16a: {  	v4 =	vperm.xlane v3, v0;
	_ =	sdelay $0x1  }
0x16b: {  	v4 =	vadd.s32 v1, v4;
	_ =	sdelay $0x3  }
0x16c: {  	v3 =	vperm.xlane v3, v2  }
0x16d: {  	[tilespmem:s9], [sflag:$0x1] =	stream.indirect_vreg.gather [hbm4b:s2+s3], $0x80, v4, vm0, $0xb8;
	[tilespmem:$0x18800] =	vst v63  }
0x16e: {  	s11 =	simm.s32 $0x1000;
	v3 =	vadd.s32 v1, v3  }
0x16f: {  	[tilespmem:s11], [sflag:$0x1] =	stream.indirect_vreg.gather [hbm4b:s5+s3], $0x80, v4, vm0, $0xb8;
	[tilespmem:$0x18800] =	vst v63  }
0x170: {  	s13 =	simm.s32 $0x1800  }
0x171: {  	[tilespmem:s13], [sflag:$0x1] =	stream.indirect_vreg.gather [hbm4b:s6+s3], $0x80, v4, vm0, $0xb8;
	[tilespmem:$0x18800] =	vst v63  }
0x172: {  	_ = 	snop  }
0x173: {  	[tilespmem:s8], [sflag:$0x1] =	stream.indirect_vreg.gather [hbm4b:s2+s3], $0x80, v3, vm0, $0xb8;
	[tilespmem:$0x18800] =	vst v63  }
0x174: {  	_ = 	snop  }
0x175: {  	[tilespmem:s14], [sflag:$0x1] =	stream.indirect_vreg.gather [hbm4b:s5+s3], $0x80, v3, vm0, $0xb8;
	[tilespmem:$0x18800] =	vst v63  }
0x176: {  	s9 =	simm.s32 $0x3000  }
0x177: {  	[tilespmem:s9], [sflag:$0x1] =	stream.indirect_vreg.gather [hbm4b:s6+s3], $0x80, v3, vm0, $0xb8;
	[tilespmem:$0x18800] =	vst v63  }
0x178: {  	v3 =	vld [tilespmem:$0x210];
	_ =	sdelay $0x4  }
0x179: {  	v45 =	vshrl.u32 v3, $0x3  }
0x17a: {  	v4 =	vmul.u32 $0x30, v45  }
0x17b: {  	v3 =	vand.u32 $0x7, v3  }
0x17c: {  	v3 =	vor.u32 v3, v4  }
0x17d: {  	v4 =	vperm.xlane v3, v0;
	_ =	sdelay $0x1  }
0x17e: {  	v4 =	vadd.s32 v1, v4;
	_ =	sdelay $0x3  }
0x17f: {  	s14 =	simm.s32 $0x3800;
	v3 =	vperm.xlane v3, v2  }
0x180: {  	[tilespmem:s14], [sflag:$0x1] =	stream.indirect_vreg.gather [hbm4b:s2+s3], $0x80, v4, vm0, $0xb8;
	[tilespmem:$0x18800] =	vst v63  }
0x181: {  	v3 =	vadd.s32 v1, v3  }
0x182: {  	[tilespmem:s15], [sflag:$0x1] =	stream.indirect_vreg.gather [hbm4b:s5+s3], $0x80, v4, vm0, $0xb8;
	[tilespmem:$0x18800] =	vst v63  }
0x183: {  	_ = 	snop  }
0x184: {  	[tilespmem:s16], [sflag:$0x1] =	stream.indirect_vreg.gather [hbm4b:s6+s3], $0x80, v4, vm0, $0xb8;
	[tilespmem:$0x18800] =	vst v63  }
0x185: {  	_ = 	snop  }
0x186: {  	[tilespmem:s17], [sflag:$0x1] =	stream.indirect_vreg.gather [hbm4b:s2+s3], $0x80, v3, vm0, $0xb8;
	[tilespmem:$0x18800] =	vst v63  }
0x187: {  	_ = 	snop  }
0x188: {  	[tilespmem:s18], [sflag:$0x1] =	stream.indirect_vreg.gather [hbm4b:s5+s3], $0x80, v3, vm0, $0xb8;
	[tilespmem:$0x18800] =	vst v63  }
0x189: {  	s14 =	simm.s32 $0x6000  }
0x18a: {  	[tilespmem:s14], [sflag:$0x1] =	stream.indirect_vreg.gather [hbm4b:s6+s3], $0x80, v3, vm0, $0xb8;
	[tilespmem:$0x18800] =	vst v63  }
0x18b: {  	v3 =	vld [tilespmem:$0x220];
	_ =	sdelay $0x4  }
0x18c: {  	v46 =	vshrl.u32 v3, $0x3  }
0x18d: {  	v4 =	vmul.u32 $0x30, v46  }
0x18e: {  	v3 =	vand.u32 $0x7, v3  }
0x18f: {  	v3 =	vor.u32 v3, v4  }
0x190: {  	v4 =	vperm.xlane v3, v0;
	_ =	sdelay $0x1  }
0x191: {  	v4 =	vadd.s32 v1, v4;
	_ =	sdelay $0x3  }
0x192: {  	s18 =	simm.s32 $0x6800;
	v3 =	vperm.xlane v3, v2  }
0x193: {  	[tilespmem:s18], [sflag:$0x1] =	stream.indirect_vreg.gather [hbm4b:s2+s3], $0x80, v4, vm0, $0xb8;
	[tilespmem:$0x18800] =	vst v63  }
0x194: {  	v3 =	vadd.s32 v1, v3  }
0x195: {  	[tilespmem:s19], [sflag:$0x1] =	stream.indirect_vreg.gather [hbm4b:s5+s3], $0x80, v4, vm0, $0xb8;
	[tilespmem:$0x18800] =	vst v63  }
0x196: {  	_ = 	snop  }
0x197: {  	[tilespmem:s20], [sflag:$0x1] =	stream.indirect_vreg.gather [hbm4b:s6+s3], $0x80, v4, vm0, $0xb8;
	[tilespmem:$0x18800] =	vst v63  }
0x198: {  	_ = 	snop  }
0x199: {  	[tilespmem:s21], [sflag:$0x1] =	stream.indirect_vreg.gather [hbm4b:s2+s3], $0x80, v3, vm0, $0xb8;
	[tilespmem:$0x18800] =	vst v63  }
0x19a: {  	_ = 	snop  }
0x19b: {  	[tilespmem:s22], [sflag:$0x1] =	stream.indirect_vreg.gather [hbm4b:s5+s3], $0x80, v3, vm0, $0xb8;
	[tilespmem:$0x18800] =	vst v63  }
0x19c: {  	s15 =	simm.s32 $0x9000  }
0x19d: {  	[tilespmem:s15], [sflag:$0x1] =	stream.indirect_vreg.gather [hbm4b:s6+s3], $0x80, v3, vm0, $0xb8;
	[tilespmem:$0x18800] =	vst v63  }
0x19e: {  	v3 =	vld [tilespmem:$0x230];
	_ =	sdelay $0x4  }
0x19f: {  	v47 =	vshrl.u32 v3, $0x3  }
0x1a0: {  	v4 =	vmul.u32 $0x30, v47  }
0x1a1: {  	v3 =	vand.u32 $0x7, v3  }
0x1a2: {  	v3 =	vor.u32 v3, v4  }
0x1a3: {  	v4 =	vperm.xlane v3, v0;
	_ =	sdelay $0x1  }
0x1a4: {  	v4 =	vadd.s32 v1, v4;
	_ =	sdelay $0x3  }
0x1a5: {  	s17 =	simm.s32 $0x9800;
	v3 =	vperm.xlane v3, v2  }
0x1a6: {  	[tilespmem:s17], [sflag:$0x1] =	stream.indirect_vreg.gather [hbm4b:s2+s3], $0x80, v4, vm0, $0xb8;
	[tilespmem:$0x18800] =	vst v63  }
0x1a7: {  	v3 =	vadd.s32 v1, v3  }
0x1a8: {  	[tilespmem:s23], [sflag:$0x1] =	stream.indirect_vreg.gather [hbm4b:s5+s3], $0x80, v4, vm0, $0xb8;
	[tilespmem:$0x18800] =	vst v63  }
0x1a9: {  	_ = 	snop  }
0x1aa: {  	[tilespmem:s24], [sflag:$0x1] =	stream.indirect_vreg.gather [hbm4b:s6+s3], $0x80, v4, vm0, $0xb8;
	[tilespmem:$0x18800] =	vst v63  }
0x1ab: {  	_ = 	snop  }
0x1ac: {  	[tilespmem:s25], [sflag:$0x1] =	stream.indirect_vreg.gather [hbm4b:s2+s3], $0x80, v3, vm0, $0xb8;
	[tilespmem:$0x18800] =	vst v63  }
0x1ad: {  	_ = 	snop  }
0x1ae: {  	[tilespmem:s26], [sflag:$0x1] =	stream.indirect_vreg.gather [hbm4b:s5+s3], $0x80, v3, vm0, $0xb8;
	[tilespmem:$0x18800] =	vst v63  }
0x1af: {  	s16 =	simm.s32 $0xC000  }
0x1b0: {  	[tilespmem:s16], [sflag:$0x1] =	stream.indirect_vreg.gather [hbm4b:s6+s3], $0x80, v3, vm0, $0xb8;
	[tilespmem:$0x18800] =	vst v63  }
0x1b1: {  	_ =	swait.ge [sflag:s12], $0xC000  }
0x1b2: {  	[sflag:s12] =	ssyncset.done $0x0  }
0x1b3: {  	s26 =	simm.s32 $0xC800;
	s25 =	rddreg [dreg:$0x7];
	[sflag:s12] =	ssyncadd.s32 $0xFFFF4000  }
0x1b4: {  	[hbm4b:s25+s3] =	stream.linear.scatter [tilespmem:s26], [sflag:$0x4], $0xC000, $0x38;
	[tilespmem:$0x18800] =	vst v63  }
0x1b5: {  	_ =	swait.ge [sflag:s0], $0xC000  }
0x1b6: {  	[sflag:s0] =	ssyncset.done $0x0  }
0x1b7: {  	[sflag:s0] =	ssyncadd.s32 $0xFFFF4000  }
0x1b8: {  	v3 =	vld [tilespmem:$0x280];
	_ =	sdelay $0x4  }
0x1b9: {  	v48 =	vshrl.u32 v3, $0x3  }
0x1ba: {  	v4 =	vmul.u32 $0x30, v48  }
0x1bb: {  	v3 =	vand.u32 $0x7, v3  }
0x1bc: {  	v3 =	vor.u32 v3, v4  }
0x1bd: {  	v4 =	vperm.xlane v3, v0;
	_ =	sdelay $0x1  }
0x1be: {  	v4 =	vadd.s32 v1, v4;
	_ =	sdelay $0x3  }
0x1bf: {  	v3 =	vperm.xlane v3, v2  }
0x1c0: {  	[tilespmem:s26], [sflag:$0x2] =	stream.indirect_vreg.gather [hbm4b:s2+s3], $0x80, v4, vm0, $0xb8;
	[tilespmem:$0x18800] =	vst v63  }
0x1c1: {  	v3 =	vadd.s32 v1, v3  }
0x1c2: {  	[tilespmem:s28], [sflag:$0x2] =	stream.indirect_vreg.gather [hbm4b:s5+s3], $0x80, v4, vm0, $0xb8;
	[tilespmem:$0x18800] =	vst v63  }
0x1c3: {  	_ = 	snop  }
0x1c4: {  	[tilespmem:s29], [sflag:$0x2] =	stream.indirect_vreg.gather [hbm4b:s6+s3], $0x80, v4, vm0, $0xb8;
	[tilespmem:$0x18800] =	vst v63  }
0x1c5: {  	_ = 	snop  }
0x1c6: {  	[tilespmem:s30], [sflag:$0x2] =	stream.indirect_vreg.gather [hbm4b:s2+s3], $0x80, v3, vm0, $0xb8;
	[tilespmem:$0x18800] =	vst v63  }
0x1c7: {  	_ = 	snop  }
0x1c8: {  	[tilespmem:s31], [sflag:$0x2] =	stream.indirect_vreg.gather [hbm4b:s5+s3], $0x80, v3, vm0, $0xb8;
	[tilespmem:$0x18800] =	vst v63  }
0x1c9: {  	s11 =	simm.s32 $0xF000  }
0x1ca: {  	[tilespmem:s11], [sflag:$0x2] =	stream.indirect_vreg.gather [hbm4b:s6+s3], $0x80, v3, vm0, $0xb8;
	[tilespmem:$0x18800] =	vst v63  }
0x1cb: {  	v3 =	vld [tilespmem:$0x290];
	_ =	sdelay $0x4  }
0x1cc: {  	v49 =	vshrl.u32 v3, $0x3  }
0x1cd: {  	v4 =	vmul.u32 $0x30, v49  }
0x1ce: {  	v3 =	vand.u32 $0x7, v3  }
0x1cf: {  	v3 =	vor.u32 v3, v4  }
0x1d0: {  	v4 =	vperm.xlane v3, v0;
	_ =	sdelay $0x1  }
0x1d1: {  	v4 =	vadd.s32 v1, v4;
	_ =	sdelay $0x3  }
0x1d2: {  	s13 =	simm.s32 $0xF800;
	v3 =	vperm.xlane v3, v2  }
0x1d3: {  	[tilespmem:s13], [sflag:$0x2] =	stream.indirect_vreg.gather [hbm4b:s2+s3], $0x80, v4, vm0, $0xb8;
	[tilespmem:$0x18800] =	vst v63  }
0x1d4: {  	s19 =	simm.s32 $0x10000;
	v3 =	vadd.s32 v1, v3  }
0x1d5: {  	[tilespmem:s19], [sflag:$0x2] =	stream.indirect_vreg.gather [hbm4b:s5+s3], $0x80, v4, vm0, $0xb8;
	[tilespmem:$0x18800] =	vst v63  }
0x1d6: {  	s21 =	simm.s32 $0x10800  }
0x1d7: {  	[tilespmem:s21], [sflag:$0x2] =	stream.indirect_vreg.gather [hbm4b:s6+s3], $0x80, v4, vm0, $0xb8;
	[tilespmem:$0x18800] =	vst v63  }
0x1d8: {  	_ = 	snop  }
0x1d9: {  	[tilespmem:s1], [sflag:$0x2] =	stream.indirect_vreg.gather [hbm4b:s2+s3], $0x80, v3, vm0, $0xb8;
	[tilespmem:$0x18800] =	vst v63  }
0x1da: {  	s22 =	simm.s32 $0x11800  }
0x1db: {  	[tilespmem:s22], [sflag:$0x2] =	stream.indirect_vreg.gather [hbm4b:s5+s3], $0x80, v3, vm0, $0xb8;
	[tilespmem:$0x18800] =	vst v63  }
0x1dc: {  	s23 =	simm.s32 $0x12000  }
0x1dd: {  	[tilespmem:s23], [sflag:$0x2] =	stream.indirect_vreg.gather [hbm4b:s6+s3], $0x80, v3, vm0, $0xb8;
	[tilespmem:$0x18800] =	vst v63  }
0x1de: {  	v3 =	vld [tilespmem:$0x2A0];
	_ =	sdelay $0x4  }
0x1df: {  	v50 =	vshrl.u32 v3, $0x3  }
0x1e0: {  	v4 =	vmul.u32 $0x30, v50  }
0x1e1: {  	v3 =	vand.u32 $0x7, v3  }
0x1e2: {  	v3 =	vor.u32 v3, v4  }
0x1e3: {  	v4 =	vperm.xlane v3, v0;
	_ =	sdelay $0x1  }
0x1e4: {  	v4 =	vadd.s32 v1, v4;
	_ =	sdelay $0x3  }
0x1e5: {  	s24 =	simm.s32 $0x12800;
	v3 =	vperm.xlane v3, v2  }
0x1e6: {  	[tilespmem:s24], [sflag:$0x2] =	stream.indirect_vreg.gather [hbm4b:s2+s3], $0x80, v4, vm0, $0xb8;
	[tilespmem:$0x18800] =	vst v63  }
0x1e7: {  	s25 =	simm.s32 $0x13000;
	v3 =	vadd.s32 v1, v3  }
0x1e8: {  	[tilespmem:s25], [sflag:$0x2] =	stream.indirect_vreg.gather [hbm4b:s5+s3], $0x80, v4, vm0, $0xb8;
	[tilespmem:$0x18800] =	vst v63  }
0x1e9: {  	s1 =	simm.s32 $0x13800  }
0x1ea: {  	[tilespmem:s1], [sflag:$0x2] =	stream.indirect_vreg.gather [hbm4b:s6+s3], $0x80, v4, vm0, $0xb8;
	[tilespmem:$0x18800] =	vst v63  }
0x1eb: {  	s8 =	simm.s32 $0x14000  }
0x1ec: {  	[tilespmem:s8], [sflag:$0x2] =	stream.indirect_vreg.gather [hbm4b:s2+s3], $0x80, v3, vm0, $0xb8;
	[tilespmem:$0x18800] =	vst v63  }
0x1ed: {  	s11 =	simm.s32 $0x14800  }
0x1ee: {  	[tilespmem:s11], [sflag:$0x2] =	stream.indirect_vreg.gather [hbm4b:s5+s3], $0x80, v3, vm0, $0xb8;
	[tilespmem:$0x18800] =	vst v63  }
0x1ef: {  	s19 =	simm.s32 $0x15000  }
0x1f0: {  	[tilespmem:s19], [sflag:$0x2] =	stream.indirect_vreg.gather [hbm4b:s6+s3], $0x80, v3, vm0, $0xb8;
	[tilespmem:$0x18800] =	vst v63  }
0x1f1: {  	v3 =	vld [tilespmem:$0x2B0];
	_ =	sdelay $0x4  }
0x1f2: {  	v51 =	vshrl.u32 v3, $0x3  }
0x1f3: {  	v4 =	vmul.u32 $0x30, v51  }
0x1f4: {  	v3 =	vand.u32 $0x7, v3  }
0x1f5: {  	v3 =	vor.u32 v3, v4  }
0x1f6: {  	v4 =	vperm.xlane v3, v0;
	_ =	sdelay $0x1  }
0x1f7: {  	v4 =	vadd.s32 v1, v4;
	_ =	sdelay $0x3  }
0x1f8: {  	s21 =	simm.s32 $0x15800;
	v3 =	vperm.xlane v3, v2  }
0x1f9: {  	[tilespmem:s21], [sflag:$0x2] =	stream.indirect_vreg.gather [hbm4b:s2+s3], $0x80, v4, vm0, $0xb8;
	[tilespmem:$0x18800] =	vst v63  }
0x1fa: {  	s23 =	simm.s32 $0x16000;
	v3 =	vadd.s32 v1, v3  }
0x1fb: {  	[tilespmem:s23], [sflag:$0x2] =	stream.indirect_vreg.gather [hbm4b:s5+s3], $0x80, v4, vm0, $0xb8;
	[tilespmem:$0x18800] =	vst v63  }
0x1fc: {  	s24 =	simm.s32 $0x16800  }
0x1fd: {  	[tilespmem:s24], [sflag:$0x2] =	stream.indirect_vreg.gather [hbm4b:s6+s3], $0x80, v4, vm0, $0xb8;
	[tilespmem:$0x18800] =	vst v63  }
0x1fe: {  	s25 =	simm.s32 $0x17000  }
0x1ff: {  	[tilespmem:s25], [sflag:$0x2] =	stream.indirect_vreg.gather [hbm4b:s2+s3], $0x80, v3, vm0, $0xb8;
	[tilespmem:$0x18800] =	vst v63  }
0x200: {  	s1 =	simm.s32 $0x17800  }
0x201: {  	[tilespmem:s1], [sflag:$0x2] =	stream.indirect_vreg.gather [hbm4b:s5+s3], $0x80, v3, vm0, $0xb8;
	[tilespmem:$0x18800] =	vst v63  }
0x202: {  	s8 =	simm.s32 $0x18000  }
0x203: {  	[tilespmem:s8], [sflag:$0x2] =	stream.indirect_vreg.gather [hbm4b:s6+s3], $0x80, v3, vm0, $0xb8;
	[tilespmem:$0x18800] =	vst v63  }
0x204: {  	_ =	swait.ge [sflag:s4], $0xC000  }
0x205: {  	[sflag:s4] =	ssyncset.done $0x0  }
0x206: {  	s19 =	simm.s32 $0x800;
	s11 =	rddreg [dreg:$0x8];
	[sflag:s4] =	ssyncadd.s32 $0xFFFF4000  }
0x207: {  	[hbm4b:s11+s3] =	stream.linear.scatter [tilespmem:s19], [sflag:$0x3], $0xC000, $0x38;
	[tilespmem:$0x18800] =	vst v63  }
0x208: {  	_ =	swait.ge [sflag:s10], $0xC000  }
0x209: {  	[sflag:s10] =	ssyncset.done $0x0  }
0x20a: {  	[sflag:s10] =	ssyncadd.s32 $0xFFFF4000  }
0x20b: {  	v3 =	vld [tilespmem:$0x300];
	_ =	sdelay $0x4  }
0x20c: {  	v52 =	vshrl.u32 v3, $0x3  }
0x20d: {  	v4 =	vmul.u32 $0x30, v52  }
0x20e: {  	v3 =	vand.u32 $0x7, v3  }
0x20f: {  	v3 =	vor.u32 v3, v4  }
0x210: {  	v4 =	vperm.xlane v3, v0;
	_ =	sdelay $0x1  }
0x211: {  	v4 =	vadd.s32 v1, v4;
	_ =	sdelay $0x3  }
0x212: {  	v3 =	vperm.xlane v3, v2  }
0x213: {  	[tilespmem:s19], [sflag:$0x1] =	stream.indirect_vreg.gather [hbm4b:s2+s3], $0x80, v4, vm0, $0xb8;
	[tilespmem:$0x18800] =	vst v63  }
0x214: {  	s1 =	simm.s32 $0x1000;
	v3 =	vadd.s32 v1, v3  }
0x215: {  	[tilespmem:s1], [sflag:$0x1] =	stream.indirect_vreg.gather [hbm4b:s5+s3], $0x80, v4, vm0, $0xb8;
	[tilespmem:$0x18800] =	vst v63  }
0x216: {  	s8 =	simm.s32 $0x1800  }
0x217: {  	[tilespmem:s8], [sflag:$0x1] =	stream.indirect_vreg.gather [hbm4b:s6+s3], $0x80, v4, vm0, $0xb8;
	[tilespmem:$0x18800] =	vst v63  }
0x218: {  	s11 =	simm.s32 $0x2000  }
0x219: {  	[tilespmem:s11], [sflag:$0x1] =	stream.indirect_vreg.gather [hbm4b:s2+s3], $0x80, v3, vm0, $0xb8;
	[tilespmem:$0x18800] =	vst v63  }
0x21a: {  	s21 =	simm.s32 $0x2800  }
0x21b: {  	[tilespmem:s21], [sflag:$0x1] =	stream.indirect_vreg.gather [hbm4b:s5+s3], $0x80, v3, vm0, $0xb8;
	[tilespmem:$0x18800] =	vst v63  }
0x21c: {  	_ = 	snop  }
0x21d: {  	[tilespmem:s9], [sflag:$0x1] =	stream.indirect_vreg.gather [hbm4b:s6+s3], $0x80, v3, vm0, $0xb8;
	[tilespmem:$0x18800] =	vst v63  }
0x21e: {  	v3 =	vld [tilespmem:$0x310];
	_ =	sdelay $0x4  }
0x21f: {  	v53 =	vshrl.u32 v3, $0x3  }
0x220: {  	v4 =	vmul.u32 $0x30, v53  }
0x221: {  	v3 =	vand.u32 $0x7, v3  }
0x222: {  	v3 =	vor.u32 v3, v4  }
0x223: {  	v4 =	vperm.xlane v3, v0;
	_ =	sdelay $0x1  }
0x224: {  	v4 =	vadd.s32 v1, v4;
	_ =	sdelay $0x3  }
0x225: {  	s21 =	simm.s32 $0x3800;
	v3 =	vperm.xlane v3, v2  }
0x226: {  	[tilespmem:s21], [sflag:$0x1] =	stream.indirect_vreg.gather [hbm4b:s2+s3], $0x80, v4, vm0, $0xb8;
	[tilespmem:$0x18800] =	vst v63  }
0x227: {  	s13 =	simm.s32 $0x4000;
	v3 =	vadd.s32 v1, v3  }
0x228: {  	[tilespmem:s13], [sflag:$0x1] =	stream.indirect_vreg.gather [hbm4b:s5+s3], $0x80, v4, vm0, $0xb8;
	[tilespmem:$0x18800] =	vst v63  }
0x229: {  	s13 =	simm.s32 $0x4800  }
0x22a: {  	[tilespmem:s13], [sflag:$0x1] =	stream.indirect_vreg.gather [hbm4b:s6+s3], $0x80, v4, vm0, $0xb8;
	[tilespmem:$0x18800] =	vst v63  }
0x22b: {  	s13 =	simm.s32 $0x5000  }
0x22c: {  	[tilespmem:s13], [sflag:$0x1] =	stream.indirect_vreg.gather [hbm4b:s2+s3], $0x80, v3, vm0, $0xb8;
	[tilespmem:$0x18800] =	vst v63  }
0x22d: {  	s13 =	simm.s32 $0x5800  }
0x22e: {  	[tilespmem:s13], [sflag:$0x1] =	stream.indirect_vreg.gather [hbm4b:s5+s3], $0x80, v3, vm0, $0xb8;
	[tilespmem:$0x18800] =	vst v63  }
0x22f: {  	_ = 	snop  }
0x230: {  	[tilespmem:s14], [sflag:$0x1] =	stream.indirect_vreg.gather [hbm4b:s6+s3], $0x80, v3, vm0, $0xb8;
	[tilespmem:$0x18800] =	vst v63  }
0x231: {  	v3 =	vld [tilespmem:$0x320];
	_ =	sdelay $0x4  }
0x232: {  	v54 =	vshrl.u32 v3, $0x3  }
0x233: {  	v4 =	vmul.u32 $0x30, v54  }
0x234: {  	v3 =	vand.u32 $0x7, v3  }
0x235: {  	v3 =	vor.u32 v3, v4  }
0x236: {  	v4 =	vperm.xlane v3, v0;
	_ =	sdelay $0x1  }
0x237: {  	v4 =	vadd.s32 v1, v4;
	_ =	sdelay $0x3  }
0x238: {  	v3 =	vperm.xlane v3, v2  }
0x239: {  	[tilespmem:s18], [sflag:$0x1] =	stream.indirect_vreg.gather [hbm4b:s2+s3], $0x80, v4, vm0, $0xb8;
	[tilespmem:$0x18800] =	vst v63  }
0x23a: {  	s13 =	simm.s32 $0x7000;
	v3 =	vadd.s32 v1, v3  }
0x23b: {  	[tilespmem:s13], [sflag:$0x1] =	stream.indirect_vreg.gather [hbm4b:s5+s3], $0x80, v4, vm0, $0xb8;
	[tilespmem:$0x18800] =	vst v63  }
0x23c: {  	s13 =	simm.s32 $0x7800  }
0x23d: {  	[tilespmem:s13], [sflag:$0x1] =	stream.indirect_vreg.gather [hbm4b:s6+s3], $0x80, v4, vm0, $0xb8;
	[tilespmem:$0x18800] =	vst v63  }
0x23e: {  	s13 =	simm.s32 $0x8000  }
0x23f: {  	[tilespmem:s13], [sflag:$0x1] =	stream.indirect_vreg.gather [hbm4b:s2+s3], $0x80, v3, vm0, $0xb8;
	[tilespmem:$0x18800] =	vst v63  }
0x240: {  	s13 =	simm.s32 $0x8800  }
0x241: {  	[tilespmem:s13], [sflag:$0x1] =	stream.indirect_vreg.gather [hbm4b:s5+s3], $0x80, v3, vm0, $0xb8;
	[tilespmem:$0x18800] =	vst v63  }
0x242: {  	_ = 	snop  }
0x243: {  	[tilespmem:s15], [sflag:$0x1] =	stream.indirect_vreg.gather [hbm4b:s6+s3], $0x80, v3, vm0, $0xb8;
	[tilespmem:$0x18800] =	vst v63  }
0x244: {  	v3 =	vld [tilespmem:$0x330];
	_ =	sdelay $0x4  }
0x245: {  	v55 =	vshrl.u32 v3, $0x3  }
0x246: {  	v4 =	vmul.u32 $0x30, v55  }
0x247: {  	v3 =	vand.u32 $0x7, v3  }
0x248: {  	v3 =	vor.u32 v3, v4  }
0x249: {  	v4 =	vperm.xlane v3, v0;
	_ =	sdelay $0x1  }
0x24a: {  	v4 =	vadd.s32 v1, v4;
	_ =	sdelay $0x3  }
0x24b: {  	v3 =	vperm.xlane v3, v2  }
0x24c: {  	[tilespmem:s17], [sflag:$0x1] =	stream.indirect_vreg.gather [hbm4b:s2+s3], $0x80, v4, vm0, $0xb8;
	[tilespmem:$0x18800] =	vst v63  }
0x24d: {  	s13 =	simm.s32 $0xA000;
	v3 =	vadd.s32 v1, v3  }
0x24e: {  	[tilespmem:s13], [sflag:$0x1] =	stream.indirect_vreg.gather [hbm4b:s5+s3], $0x80, v4, vm0, $0xb8;
	[tilespmem:$0x18800] =	vst v63  }
0x24f: {  	s13 =	simm.s32 $0xA800  }
0x250: {  	[tilespmem:s13], [sflag:$0x1] =	stream.indirect_vreg.gather [hbm4b:s6+s3], $0x80, v4, vm0, $0xb8;
	[tilespmem:$0x18800] =	vst v63  }
0x251: {  	s13 =	simm.s32 $0xB000  }
0x252: {  	[tilespmem:s13], [sflag:$0x1] =	stream.indirect_vreg.gather [hbm4b:s2+s3], $0x80, v3, vm0, $0xb8;
	[tilespmem:$0x18800] =	vst v63  }
0x253: {  	s13 =	simm.s32 $0xB800  }
0x254: {  	[tilespmem:s13], [sflag:$0x1] =	stream.indirect_vreg.gather [hbm4b:s5+s3], $0x80, v3, vm0, $0xb8;
	[tilespmem:$0x18800] =	vst v63  }
0x255: {  	_ = 	snop  }
0x256: {  	[tilespmem:s16], [sflag:$0x1] =	stream.indirect_vreg.gather [hbm4b:s6+s3], $0x80, v3, vm0, $0xb8;
	[tilespmem:$0x18800] =	vst v63  }
0x257: {  	_ =	swait.ge [sflag:s12], $0xC000  }
0x258: {  	[sflag:s12] =	ssyncset.done $0x0  }
0x259: {  	s20 =	simm.s32 $0xC800;
	s13 =	rddreg [dreg:$0x9];
	[sflag:s12] =	ssyncadd.s32 $0xFFFF4000  }
0x25a: {  	[hbm4b:s13+s3] =	stream.linear.scatter [tilespmem:s20], [sflag:$0x4], $0xC000, $0x38;
	[tilespmem:$0x18800] =	vst v63  }
0x25b: {  	_ =	swait.ge [sflag:s0], $0xC000  }
0x25c: {  	[sflag:s0] =	ssyncset.done $0x0  }
0x25d: {  	[sflag:s0] =	ssyncadd.s32 $0xFFFF4000  }
0x25e: {  	v3 =	vld [tilespmem:$0x380];
	_ =	sdelay $0x4  }
0x25f: {  	v56 =	vshrl.u32 v3, $0x3  }
0x260: {  	v4 =	vmul.u32 $0x30, v56  }
0x261: {  	v3 =	vand.u32 $0x7, v3  }
0x262: {  	v3 =	vor.u32 v3, v4  }
0x263: {  	v4 =	vperm.xlane v3, v0;
	_ =	sdelay $0x1  }
0x264: {  	v4 =	vadd.s32 v1, v4;
	_ =	sdelay $0x3  }
0x265: {  	v3 =	vperm.xlane v3, v2  }
0x266: {  	[tilespmem:s20], [sflag:$0x2] =	stream.indirect_vreg.gather [hbm4b:s2+s3], $0x80, v4, vm0, $0xb8;
	[tilespmem:$0x18800] =	vst v63  }
0x267: {  	s26 =	simm.s32 $0xD000;
	v3 =	vadd.s32 v1, v3  }
0x268: {  	[tilespmem:s26], [sflag:$0x2] =	stream.indirect_vreg.gather [hbm4b:s5+s3], $0x80, v4, vm0, $0xb8;
	[tilespmem:$0x18800] =	vst v63  }
0x269: {  	s28 =	simm.s32 $0xD800  }
0x26a: {  	[tilespmem:s28], [sflag:$0x2] =	stream.indirect_vreg.gather [hbm4b:s6+s3], $0x80, v4, vm0, $0xb8;
	[tilespmem:$0x18800] =	vst v63  }
0x26b: {  	s29 =	simm.s32 $0xE000  }
0x26c: {  	[tilespmem:s29], [sflag:$0x2] =	stream.indirect_vreg.gather [hbm4b:s2+s3], $0x80, v3, vm0, $0xb8;
	[tilespmem:$0x18800] =	vst v63  }
0x26d: {  	s30 =	simm.s32 $0xE800  }
0x26e: {  	[tilespmem:s30], [sflag:$0x2] =	stream.indirect_vreg.gather [hbm4b:s5+s3], $0x80, v3, vm0, $0xb8;
	[tilespmem:$0x18800] =	vst v63  }
0x26f: {  	s30 =	simm.s32 $0xF000  }
0x270: {  	[tilespmem:s30], [sflag:$0x2] =	stream.indirect_vreg.gather [hbm4b:s6+s3], $0x80, v3, vm0, $0xb8;
	[tilespmem:$0x18800] =	vst v63  }
0x271: {  	v3 =	vld [tilespmem:$0x390];
	_ =	sdelay $0x4  }
0x272: {  	v57 =	vshrl.u32 v3, $0x3  }
0x273: {  	v4 =	vmul.u32 $0x30, v57  }
0x274: {  	v3 =	vand.u32 $0x7, v3  }
0x275: {  	v3 =	vor.u32 v3, v4  }
0x276: {  	v4 =	vperm.xlane v3, v0;
	_ =	sdelay $0x1  }
0x277: {  	v4 =	vadd.s32 v1, v4;
	_ =	sdelay $0x3  }
0x278: {  	s26 =	simm.s32 $0xF800;
	v3 =	vperm.xlane v3, v2  }
0x279: {  	[tilespmem:s26], [sflag:$0x2] =	stream.indirect_vreg.gather [hbm4b:s2+s3], $0x80, v4, vm0, $0xb8;
	[tilespmem:$0x18800] =	vst v63  }
0x27a: {  	s28 =	simm.s32 $0x10000;
	v3 =	vadd.s32 v1, v3  }
0x27b: {  	[tilespmem:s28], [sflag:$0x2] =	stream.indirect_vreg.gather [hbm4b:s5+s3], $0x80, v4, vm0, $0xb8;
	[tilespmem:$0x18800] =	vst v63  }
0x27c: {  	s29 =	simm.s32 $0x10800  }
0x27d: {  	[tilespmem:s29], [sflag:$0x2] =	stream.indirect_vreg.gather [hbm4b:s6+s3], $0x80, v4, vm0, $0xb8;
	[tilespmem:$0x18800] =	vst v63  }
0x27e: {  	s30 =	simm.s32 $0x11000  }
0x27f: {  	[tilespmem:s30], [sflag:$0x2] =	stream.indirect_vreg.gather [hbm4b:s2+s3], $0x80, v3, vm0, $0xb8;
	[tilespmem:$0x18800] =	vst v63  }
0x280: {  	s31 =	simm.s32 $0x11800  }
0x281: {  	[tilespmem:s31], [sflag:$0x2] =	stream.indirect_vreg.gather [hbm4b:s5+s3], $0x80, v3, vm0, $0xb8;
	[tilespmem:$0x18800] =	vst v63  }
0x282: {  	s26 =	simm.s32 $0x12000  }
0x283: {  	[tilespmem:s26], [sflag:$0x2] =	stream.indirect_vreg.gather [hbm4b:s6+s3], $0x80, v3, vm0, $0xb8;
	[tilespmem:$0x18800] =	vst v63  }
0x284: {  	v3 =	vld [tilespmem:$0x3A0];
	_ =	sdelay $0x4  }
0x285: {  	v58 =	vshrl.u32 v3, $0x3  }
0x286: {  	v4 =	vmul.u32 $0x30, v58  }
0x287: {  	v3 =	vand.u32 $0x7, v3  }
0x288: {  	v3 =	vor.u32 v3, v4  }
0x289: {  	v4 =	vperm.xlane v3, v0;
	_ =	sdelay $0x1  }
0x28a: {  	v4 =	vadd.s32 v1, v4;
	_ =	sdelay $0x3  }
0x28b: {  	s28 =	simm.s32 $0x12800;
	v3 =	vperm.xlane v3, v2  }
0x28c: {  	[tilespmem:s28], [sflag:$0x2] =	stream.indirect_vreg.gather [hbm4b:s2+s3], $0x80, v4, vm0, $0xb8;
	[tilespmem:$0x18800] =	vst v63  }
0x28d: {  	s29 =	simm.s32 $0x13000;
	v3 =	vadd.s32 v1, v3  }
0x28e: {  	[tilespmem:s29], [sflag:$0x2] =	stream.indirect_vreg.gather [hbm4b:s5+s3], $0x80, v4, vm0, $0xb8;
	[tilespmem:$0x18800] =	vst v63  }
0x28f: {  	s30 =	simm.s32 $0x13800  }
0x290: {  	[tilespmem:s30], [sflag:$0x2] =	stream.indirect_vreg.gather [hbm4b:s6+s3], $0x80, v4, vm0, $0xb8;
	[tilespmem:$0x18800] =	vst v63  }
0x291: {  	s31 =	simm.s32 $0x14000  }
0x292: {  	[tilespmem:s31], [sflag:$0x2] =	stream.indirect_vreg.gather [hbm4b:s2+s3], $0x80, v3, vm0, $0xb8;
	[tilespmem:$0x18800] =	vst v63  }
0x293: {  	s22 =	simm.s32 $0x14800  }
0x294: {  	[tilespmem:s22], [sflag:$0x2] =	stream.indirect_vreg.gather [hbm4b:s5+s3], $0x80, v3, vm0, $0xb8;
	[tilespmem:$0x18800] =	vst v63  }
0x295: {  	s22 =	simm.s32 $0x15000  }
0x296: {  	[tilespmem:s22], [sflag:$0x2] =	stream.indirect_vreg.gather [hbm4b:s6+s3], $0x80, v3, vm0, $0xb8;
	[tilespmem:$0x18800] =	vst v63  }
0x297: {  	v3 =	vld [tilespmem:$0x3B0];
	_ =	sdelay $0x4  }
0x298: {  	v59 =	vshrl.u32 v3, $0x3  }
0x299: {  	v4 =	vmul.u32 $0x30, v59  }
0x29a: {  	v3 =	vand.u32 $0x7, v3  }
0x29b: {  	v3 =	vor.u32 v3, v4  }
0x29c: {  	v4 =	vperm.xlane v3, v0;
	_ =	sdelay $0x1  }
0x29d: {  	v4 =	vadd.s32 v1, v4;
	_ =	sdelay $0x3  }
0x29e: {  	s26 =	simm.s32 $0x15800;
	v3 =	vperm.xlane v3, v2  }
0x29f: {  	[tilespmem:s26], [sflag:$0x2] =	stream.indirect_vreg.gather [hbm4b:s2+s3], $0x80, v4, vm0, $0xb8;
	[tilespmem:$0x18800] =	vst v63  }
0x2a0: {  	s28 =	simm.s32 $0x16000;
	v3 =	vadd.s32 v1, v3  }
0x2a1: {  	[tilespmem:s28], [sflag:$0x2] =	stream.indirect_vreg.gather [hbm4b:s5+s3], $0x80, v4, vm0, $0xb8;
	[tilespmem:$0x18800] =	vst v63  }
0x2a2: {  	s23 =	simm.s32 $0x16800  }
0x2a3: {  	[tilespmem:s23], [sflag:$0x2] =	stream.indirect_vreg.gather [hbm4b:s6+s3], $0x80, v4, vm0, $0xb8;
	[tilespmem:$0x18800] =	vst v63  }
0x2a4: {  	s24 =	simm.s32 $0x17000  }
0x2a5: {  	[tilespmem:s24], [sflag:$0x2] =	stream.indirect_vreg.gather [hbm4b:s2+s3], $0x80, v3, vm0, $0xb8;
	[tilespmem:$0x18800] =	vst v63  }
0x2a6: {  	s25 =	simm.s32 $0x17800  }
0x2a7: {  	[tilespmem:s25], [sflag:$0x2] =	stream.indirect_vreg.gather [hbm4b:s5+s3], $0x80, v3, vm0, $0xb8;
	[tilespmem:$0x18800] =	vst v63  }
0x2a8: {  	s29 =	simm.s32 $0x18000  }
0x2a9: {  	[tilespmem:s29], [sflag:$0x2] =	stream.indirect_vreg.gather [hbm4b:s6+s3], $0x80, v3, vm0, $0xb8;
	[tilespmem:$0x18800] =	vst v63  }
0x2aa: {  	_ =	swait.ge [sflag:s4], $0xC000  }
0x2ab: {  	[sflag:s4] =	ssyncset.done $0x0  }
0x2ac: {  	s19 =	simm.s32 $0x800;
	s30 =	rddreg [dreg:$0xa];
	[sflag:s4] =	ssyncadd.s32 $0xFFFF4000  }
0x2ad: {  	[hbm4b:s30+s3] =	stream.linear.scatter [tilespmem:s19], [sflag:$0x3], $0xC000, $0x38;
	[tilespmem:$0x18800] =	vst v63  }
0x2ae: {  	_ =	swait.ge [sflag:s10], $0xC000  }
0x2af: {  	[sflag:s10] =	ssyncset.done $0x0  }
0x2b0: {  	[sflag:s10] =	ssyncadd.s32 $0xFFFF4000  }
0x2b1: {  	v3 =	vld [tilespmem:$0x400];
	_ =	sdelay $0x4  }
0x2b2: {  	v60 =	vshrl.u32 v3, $0x3  }
0x2b3: {  	v4 =	vmul.u32 $0x30, v60  }
0x2b4: {  	v3 =	vand.u32 $0x7, v3  }
0x2b5: {  	v3 =	vor.u32 v3, v4  }
0x2b6: {  	v4 =	vperm.xlane v3, v0;
	_ =	sdelay $0x1  }
0x2b7: {  	v4 =	vadd.s32 v1, v4;
	_ =	sdelay $0x3  }
0x2b8: {  	v3 =	vperm.xlane v3, v2  }
0x2b9: {  	[tilespmem:s19], [sflag:$0x1] =	stream.indirect_vreg.gather [hbm4b:s2+s3], $0x80, v4, vm0, $0xb8;
	[tilespmem:$0x18800] =	vst v63  }
0x2ba: {  	v3 =	vadd.s32 v1, v3  }
0x2bb: {  	[tilespmem:s1], [sflag:$0x1] =	stream.indirect_vreg.gather [hbm4b:s5+s3], $0x80, v4, vm0, $0xb8;
	[tilespmem:$0x18800] =	vst v63  }
0x2bc: {  	_ = 	snop  }
0x2bd: {  	[tilespmem:s8], [sflag:$0x1] =	stream.indirect_vreg.gather [hbm4b:s6+s3], $0x80, v4, vm0, $0xb8;
	[tilespmem:$0x18800] =	vst v63  }
0x2be: {  	_ = 	snop  }
0x2bf: {  	[tilespmem:s11], [sflag:$0x1] =	stream.indirect_vreg.gather [hbm4b:s2+s3], $0x80, v3, vm0, $0xb8;
	[tilespmem:$0x18800] =	vst v63  }
0x2c0: {  	s31 =	simm.s32 $0x2800  }
0x2c1: {  	[tilespmem:s31], [sflag:$0x1] =	stream.indirect_vreg.gather [hbm4b:s5+s3], $0x80, v3, vm0, $0xb8;
	[tilespmem:$0x18800] =	vst v63  }
0x2c2: {  	s9 =	simm.s32 $0x3000  }
0x2c3: {  	[tilespmem:s9], [sflag:$0x1] =	stream.indirect_vreg.gather [hbm4b:s6+s3], $0x80, v3, vm0, $0xb8;
	[tilespmem:$0x18800] =	vst v63  }
0x2c4: {  	v3 =	vld [tilespmem:$0x410];
	_ =	sdelay $0x4  }
0x2c5: {  	v61 =	vshrl.u32 v3, $0x3  }
0x2c6: {  	v4 =	vmul.u32 $0x30, v61  }
0x2c7: {  	v3 =	vand.u32 $0x7, v3  }
0x2c8: {  	v3 =	vor.u32 v3, v4  }
0x2c9: {  	v4 =	vperm.xlane v3, v0;
	_ =	sdelay $0x1  }
0x2ca: {  	v4 =	vadd.s32 v1, v4;
	_ =	sdelay $0x3  }
0x2cb: {  	s21 =	simm.s32 $0x3800;
	v3 =	vperm.xlane v3, v2  }
0x2cc: {  	[tilespmem:s21], [sflag:$0x1] =	stream.indirect_vreg.gather [hbm4b:s2+s3], $0x80, v4, vm0, $0xb8;
	[tilespmem:$0x18800] =	vst v63  }
0x2cd: {  	s8 =	simm.s32 $0x4000;
	v3 =	vadd.s32 v1, v3  }
0x2ce: {  	[tilespmem:s8], [sflag:$0x1] =	stream.indirect_vreg.gather [hbm4b:s5+s3], $0x80, v4, vm0, $0xb8;
	[tilespmem:$0x18800] =	vst v63  }
0x2cf: {  	s9 =	simm.s32 $0x4800  }
0x2d0: {  	[tilespmem:s9], [sflag:$0x1] =	stream.indirect_vreg.gather [hbm4b:s6+s3], $0x80, v4, vm0, $0xb8;
	[tilespmem:$0x18800] =	vst v63  }
0x2d1: {  	s11 =	simm.s32 $0x5000  }
0x2d2: {  	[tilespmem:s11], [sflag:$0x1] =	stream.indirect_vreg.gather [hbm4b:s2+s3], $0x80, v3, vm0, $0xb8;
	[tilespmem:$0x18800] =	vst v63  }
0x2d3: {  	s13 =	simm.s32 $0x5800  }
0x2d4: {  	[tilespmem:s13], [sflag:$0x1] =	stream.indirect_vreg.gather [hbm4b:s5+s3], $0x80, v3, vm0, $0xb8;
	[tilespmem:$0x18800] =	vst v63  }
0x2d5: {  	s14 =	simm.s32 $0x6000  }
0x2d6: {  	[tilespmem:s14], [sflag:$0x1] =	stream.indirect_vreg.gather [hbm4b:s6+s3], $0x80, v3, vm0, $0xb8;
	[tilespmem:$0x18800] =	vst v63  }
0x2d7: {  	v3 =	vld [tilespmem:$0x420];
	_ =	sdelay $0x4  }
0x2d8: {  	v62 =	vshrl.u32 v3, $0x3  }
0x2d9: {  	v4 =	vmul.u32 $0x30, v62  }
0x2da: {  	v3 =	vand.u32 $0x7, v3  }
0x2db: {  	v3 =	vor.u32 v3, v4  }
0x2dc: {  	v4 =	vperm.xlane v3, v0;
	_ =	sdelay $0x1  }
0x2dd: {  	v4 =	vadd.s32 v1, v4;
	_ =	sdelay $0x3  }
0x2de: {  	s18 =	simm.s32 $0x6800;
	v3 =	vperm.xlane v3, v2  }
0x2df: {  	[tilespmem:s18], [sflag:$0x1] =	stream.indirect_vreg.gather [hbm4b:s2+s3], $0x80, v4, vm0, $0xb8;
	[tilespmem:$0x18800] =	vst v63  }
0x2e0: {  	s21 =	simm.s32 $0x7000;
	v3 =	vadd.s32 v1, v3  }
0x2e1: {  	[tilespmem:s21], [sflag:$0x1] =	stream.indirect_vreg.gather [hbm4b:s5+s3], $0x80, v4, vm0, $0xb8;
	[tilespmem:$0x18800] =	vst v63  }
0x2e2: {  	s22 =	simm.s32 $0x7800  }
0x2e3: {  	[tilespmem:s22], [sflag:$0x1] =	stream.indirect_vreg.gather [hbm4b:s6+s3], $0x80, v4, vm0, $0xb8;
	[tilespmem:$0x18800] =	vst v63  }
0x2e4: {  	s23 =	simm.s32 $0x8000  }
0x2e5: {  	[tilespmem:s23], [sflag:$0x1] =	stream.indirect_vreg.gather [hbm4b:s2+s3], $0x80, v3, vm0, $0xb8;
	[tilespmem:$0x18800] =	vst v63  }
0x2e6: {  	s24 =	simm.s32 $0x8800  }
0x2e7: {  	[tilespmem:s24], [sflag:$0x1] =	stream.indirect_vreg.gather [hbm4b:s5+s3], $0x80, v3, vm0, $0xb8;
	[tilespmem:$0x18800] =	vst v63  }
0x2e8: {  	s15 =	simm.s32 $0x9000  }
0x2e9: {  	[tilespmem:s15], [sflag:$0x1] =	stream.indirect_vreg.gather [hbm4b:s6+s3], $0x80, v3, vm0, $0xb8;
	[tilespmem:$0x18800] =	vst v63  }
0x2ea: {  	v3 =	vld [tilespmem:$0x430];
	_ =	sdelay $0x4  }
0x2eb: {  	v63 =	vshrl.u32 v3, $0x3  }
0x2ec: {  	v4 =	vmul.u32 $0x30, v63  }
0x2ed: {  	v3 =	vand.u32 $0x7, v3  }
0x2ee: {  	v3 =	vor.u32 v3, v4  }
0x2ef: {  	v4 =	vperm.xlane v3, v0;
	_ =	sdelay $0x1  }
0x2f0: {  	v4 =	vadd.s32 v1, v4;
	_ =	sdelay $0x3  }
0x2f1: {  	s17 =	simm.s32 $0x9800;
	v3 =	vperm.xlane v3, v2  }
0x2f2: {  	[tilespmem:s17], [sflag:$0x1] =	stream.indirect_vreg.gather [hbm4b:s2+s3], $0x80, v4, vm0, $0xb8;
	[tilespmem:$0x18800] =	vst v63  }
0x2f3: {  	s25 =	simm.s32 $0xA000;
	v3 =	vadd.s32 v1, v3  }
0x2f4: {  	[tilespmem:s25], [sflag:$0x1] =	stream.indirect_vreg.gather [hbm4b:s5+s3], $0x80, v4, vm0, $0xb8;
	[tilespmem:$0x18800] =	vst v63  }
0x2f5: {  	s26 =	simm.s32 $0xA800  }
0x2f6: {  	[tilespmem:s26], [sflag:$0x1] =	stream.indirect_vreg.gather [hbm4b:s6+s3], $0x80, v4, vm0, $0xb8;
	[tilespmem:$0x18800] =	vst v63  }
0x2f7: {  	s28 =	simm.s32 $0xB000  }
0x2f8: {  	[tilespmem:s28], [sflag:$0x1] =	stream.indirect_vreg.gather [hbm4b:s2+s3], $0x80, v3, vm0, $0xb8;
	[tilespmem:$0x18800] =	vst v63  }
0x2f9: {  	s29 =	simm.s32 $0xB800  }
0x2fa: {  	[tilespmem:s29], [sflag:$0x1] =	stream.indirect_vreg.gather [hbm4b:s5+s3], $0x80, v3, vm0, $0xb8;
	[tilespmem:$0x18800] =	vst v63  }
0x2fb: {  	s16 =	simm.s32 $0xC000  }
0x2fc: {  	[tilespmem:s16], [sflag:$0x1] =	stream.indirect_vreg.gather [hbm4b:s6+s3], $0x80, v3, vm0, $0xb8;
	[tilespmem:$0x18800] =	vst v63  }
0x2fd: {  	_ =	swait.ge [sflag:s12], $0xC000  }
0x2fe: {  	[sflag:s12] =	ssyncset.done $0x0  }
0x2ff: {  	s30 =	rddreg [dreg:$0xb];
	[sflag:s12] =	ssyncadd.s32 $0xFFFF4000  }
0x300: {  	[hbm4b:s30+s3] =	stream.linear.scatter [tilespmem:s20], [sflag:$0x4], $0xC000, $0x38;
	[tilespmem:$0x18800] =	vst v63  }
0x301: {  	_ =	swait.ge [sflag:s4], $0xC000  }
0x302: {  	[sflag:s4] =	ssyncset.done $0x0  }
0x303: {  	s31 =	rddreg [dreg:$0xc];
	[sflag:s4] =	ssyncadd.s32 $0xFFFF4000  }
0x304: {  	[hbm4b:s31+s3] =	stream.linear.scatter [tilespmem:s19], [sflag:$0x3], $0xC000, $0x38;
	[tilespmem:$0x18800] =	vst v63  }
0x305: {  	p0 =	sne.s32 s7, $0x1;
	_ =	swait.ge [sflag:s0], $0xC000  }
.Ltmp0:
0x306: {  	[sflag:s0] =	ssyncset.done $0x0;
	(pc) =	sbr.rel @p0 .LBB2_1-.Ltmp0, $4  }
0x307: {  	[sflag:s0] =	ssyncadd.s32 $0xFFFF4000  }
0x308: {  	_ =	swait.ge [sflag:s10], $0xC000  }
0x309: {  	[sflag:s10] =	ssyncset.done $0x0  }
0x30a: {  	s7 =	sadd.s32 $0xFFFFFFFF, s7;
	[sflag:s10] =	ssyncadd.s32 $0xFFFF4000  }
0x30b: {  	_ =	sfence.sel $0x180000  }
0x30c: {  	[bflag:$0x0] =	sbarrier.arrive $0xFFFF  }
0x30d: {  	_ =	strace $0x90000047  }
0x30e: {  	s0 =	stileid.u32;
	[bflag:$0x2] =	sbarrier.arrive $0xFFFF  }
0x30f: {  	p0 =	sne.s32 s0, $0x0;
	s0 =	rddreg [dreg:$0x2]  }
0x310: {  	s0 =	sadd.s32 @!p0 $0x100000, s0  }
0x311: {  	[sflag:s0] =	ssyncadd.tile.s32 @!p0 $0x1;
	_ =	shalt  }
.Lfunc_end2:
_tile_overlayer_lowered:
.L_overlay_start_2:
0x312: {  	(tag) =	ssettag $0x2  }
0x313: {  	s0 =	rddreg [dreg:$0x0];
	s2 =	stileid.u32  }
0x314: {  	s1 =	rddreg [dreg:$0x1];
	p0 =	sne.s32 s2, $0x0  }
0x315: {  	s3 =	rddreg [dreg:$0x2];
	[bflag:$0x3] =	sbarrier.arrive $0xFFFF;
	s2 =	simm.s32 @!p0 $0x1C05  }
0x316: {  	[timem:s3], [sflag:s2] =	dma.local @!p0 [hbm:s0], s1  }
0x317: {  	s0 =	simm.s32 @!p0 $0x5  }
0x318: {  	_ =	swait.ge @!p0 [sflag:s0], s1  }
0x319: {  	s1 =	ssub.s32 @!p0 $0x0, s1;
	[sflag:s0] =	ssyncset.done @!p0 $0x0  }
0x31a: {  	[sflag:s0] =	ssyncadd.s32 @!p0 s1  }
0x31b: {  	[bflag:$0x3] =	sbarrier.arrive $0xFFFF  }
0x31c: {  	_ =	shalt  }

</sc_bundles>
